<compile_context>
chip_gen: v7x
topology: tpu7x:2x2x1
jax: 0.10.2.dev20260603
libtpu: 0.0.44.dev20260713+nightly
codegen_flags: <defaults>
</compile_context>

<pallas_src>
import functools

import jax
import jax.numpy as jnp
from jax import lax
from jax.experimental import pallas as pl
from jax.experimental.pallas import tpu as pltpu
from jax.experimental.pallas import tpu_sc as plsc

N_ROWS = 1600
EMBED = 32
BATCH = 1024
D = 8
NUM_CORES = 2
NUM_SUBCORES = 16
NUM_WORKERS = NUM_CORES * NUM_SUBCORES
PAIRS = N_ROWS // 2
PAIRS_PER_WORKER = PAIRS // NUM_WORKERS
SLICE_ROWS = EMBED // 16
NBUF = 4

_mesh = plsc.VectorSubcoreMesh(core_axis_name="c", subcore_axis_name="s")


@functools.partial(
    pl.kernel,
    out_type=jax.ShapeDtypeStruct((N_ROWS, EMBED, BATCH), jnp.float32),
    mesh=_mesh,
    scratch_types=[
        pltpu.VMEM((PAIRS_PER_WORKER, 2), jnp.int32),
        pltpu.VMEM((NBUF, 2, SLICE_ROWS, BATCH), jnp.float32),
        [pltpu.SemaphoreType.DMA] * NBUF,
        [pltpu.SemaphoreType.DMA] * NBUF,
    ],
    compiler_params=pltpu.CompilerParams(needs_layout_passes=False),
)
def _permute_slabs(table, perm, out, perm_v, bufs, gsems, ssems):
    wid = lax.axis_index("s") * NUM_CORES + lax.axis_index("c")
    pair_base = wid * PAIRS_PER_WORKER
    slab_base = pair_base * 2

    pltpu.sync_copy(perm.at[wid], perm_v)

    n_steps = PAIRS_PER_WORKER * 16

    def start_gather(k, b):
        m = lax.div(k, 16)
        h = lax.rem(k, 16)
        return pltpu.async_copy(
            table.at[perm_v.at[m], pl.ds(h * SLICE_ROWS, SLICE_ROWS)],
            bufs.at[b],
            gsems[b],
        )

    def start_scatter(k, b):
        m = lax.div(k, 16)
        h = lax.rem(k, 16)
        return pltpu.async_copy(
            bufs.at[b],
            out.at[pl.ds(slab_base + 2 * m, 2), pl.ds(h * SLICE_ROWS, SLICE_ROWS)],
            ssems[b],
        )

    dummy_src = table.at[pl.ds(0, 2), pl.ds(0, SLICE_ROWS)]
    dummy_dst = out.at[pl.ds(slab_base, 2), pl.ds(0, SLICE_ROWS)]

    def wait_gather(b):
        pltpu.make_async_copy(dummy_src, bufs.at[b], gsems[b]).wait()

    def wait_scatter(b):
        pltpu.make_async_copy(bufs.at[b], dummy_dst, ssems[b]).wait()

    def body(i, carry):
        for b in range(NBUF):
            k = i * NBUF + b

            @pl.when(i > 0)
            def _():
                wait_scatter(b)

            start_gather(k, b)

            @pl.when(k >= 2)
            def _():
                b2 = (b + 2) % NBUF
                wait_gather(b2)
                start_scatter(k - 2, b2)

        return carry

    lax.fori_loop(0, n_steps // NBUF, body, 0)

    for k in (n_steps - 2, n_steps - 1):
        b = k % NBUF
        wait_gather(b)
        start_scatter(jnp.int32(k), b)
    for b in range(NBUF):
        wait_scatter(b)


def kernel(M, permutator):
    table = jnp.transpose(M, (1, 2, 3, 0)).reshape(N_ROWS, EMBED, BATCH)
    out = _permute_slabs(
        table, permutator.reshape(NUM_WORKERS, PAIRS_PER_WORKER, 2)
    )
    return jnp.transpose(
        out.reshape(N_ROWS // D, D, EMBED, BATCH), (3, 0, 1, 2)
    )

# --- scband reference (transcript-rebuilt; emitter-appended) ---
"""Pipeline reference for scband-r-odtconstruction-2456721293495 (READ-ONLY COPY).

The authoritative reference and input builder live on the scoring server;
editing this copy changes nothing except your own understanding.
"""

import jax, jax.numpy as jnp
import numpy as np

N_COND = 16
N_COL = 100
D = 8
EMBED = 32
BATCH = 1024


def setup_inputs(seed: int = 0) -> dict:
    key = jax.random.key(seed)
    kM, kp = jax.random.split(key)
    M = jax.random.normal(kM, (BATCH, N_COND, N_COL, EMBED), dtype=jnp.float32)
    # Mirrors torch.rand(n_cond * n_col).argsort(-1): a random permutation of row indices.
    permutator = jax.random.permutation(kp, N_COND * N_COL).astype(jnp.int32)
    return {"M": M, "permutator": permutator}


def reference(M, permutator):
    b = M.shape[0]
    embed_dim = M.shape[-1]
    flat = M.reshape(b, -1, embed_dim)          # [b, n_cond*n_col, embed]
    gathered = jnp.take(flat, permutator, axis=1)  # permute rows (gather)
    return gathered.reshape(b, -1, D, embed_dim)   # [b, (n_cond*n_col)//d, d, embed]

if __name__ == "__main__":
    import jax
    _d = setup_inputs()
    print(jax.jit(kernel)(*tuple(_d.values())))

</pallas_src>

<mosaic_0001>
#map = affine_map<(d0, d1) -> (0, 0, 0)>
module attributes {stable_mosaic.version = 14 : i64} {
  func.func @_permute_slabs(%arg0: i32, %arg1: i32, %arg2: memref<1600x32x1024xf32, #tpu.memory_space<hbm>>, %arg3: memref<32x25x2xi32, #tpu.memory_space<hbm>>, %arg4: memref<1600x32x1024xf32, #tpu.memory_space<hbm>>, %arg5: memref<25x2xi32, #tpu.memory_space<vmem>>, %arg6: memref<4x2x2x1024xf32, #tpu.memory_space<vmem>>, %arg7: memref<!tpu.dma_semaphore, #tpu.memory_space<semaphore_mem>>, %arg8: memref<!tpu.dma_semaphore, #tpu.memory_space<semaphore_mem>>, %arg9: memref<!tpu.dma_semaphore, #tpu.memory_space<semaphore_mem>>, %arg10: memref<!tpu.dma_semaphore, #tpu.memory_space<semaphore_mem>>, %arg11: memref<!tpu.dma_semaphore, #tpu.memory_space<semaphore_mem>>, %arg12: memref<!tpu.dma_semaphore, #tpu.memory_space<semaphore_mem>>, %arg13: memref<!tpu.dma_semaphore, #tpu.memory_space<semaphore_mem>>, %arg14: memref<!tpu.dma_semaphore, #tpu.memory_space<semaphore_mem>>) attributes {dimension_semantics = [#tpu.dimension_semantics<core_parallel>, #tpu.dimension_semantics<subcore_parallel>], iteration_bounds = array<i64: 2, 16>, scalar_prefetch = 0 : i64, scratch_operands = 10 : i64, tpu.core_type = #tpu.core_type<sc_vector_subcore>, window_params = [{transform_indices = #map}, {transform_indices = #map}, {transform_indices = #map}]} {
    %mul3A = arith.constant 2 : i32
    %mul3A_0 = arith.muli %arg1, %mul3A : i32
    %add3A = arith.addi %mul3A_0, %arg0 : i32
    %mul3A_1 = arith.constant 25 : i32
    %mul3A_2 = arith.muli %add3A, %mul3A_1 : i32
    %mul3A_3 = arith.constant 2 : i32
    %mul3A_4 = arith.muli %mul3A_2, %mul3A_3 : i32
    "tpu.region"() ({
      %run_scoped3A = tpu.sem_alloc : memref<!tpu.dma_semaphore, #tpu.memory_space<semaphore_mem>>
      %dma_start3A_164 = arith.constant 0 : i32
      %dma_start3A_165 = arith.constant 0 : i32
      %dma_start3A_166 = tpu.memref_slice %arg3[%add3A, %dma_start3A_164, %dma_start3A_165] : memref<32x25x2xi32, #tpu.memory_space<hbm>> -> memref<1x25x2xi32, #tpu.memory_space<hbm>>
      %dma_start3A_167 = tpu.memref_squeeze %dma_start3A_166 : memref<1x25x2xi32, #tpu.memory_space<hbm>> -> memref<25x2xi32, #tpu.memory_space<hbm>>
      %dma_start3A_168 = arith.constant 0 : i32
      %dma_start3A_169 = arith.constant 0 : i32
      %dma_start3A_170 = tpu.memref_slice %arg3[%add3A, %dma_start3A_168, %dma_start3A_169] : memref<32x25x2xi32, #tpu.memory_space<hbm>> -> memref<1x25x2xi32, #tpu.memory_space<hbm>>
      %dma_start3A_171 = tpu.memref_squeeze %dma_start3A_170 : memref<1x25x2xi32, #tpu.memory_space<hbm>> -> memref<25x2xi32, #tpu.memory_space<hbm>>
      tpu.enqueue_dma source(%dma_start3A_171 : memref<25x2xi32, #tpu.memory_space<hbm>>) target(%arg5 : memref<25x2xi32, #tpu.memory_space<vmem>>) target_semaphore(%run_scoped3A : memref<!tpu.dma_semaphore, #tpu.memory_space<semaphore_mem>>)
      %dma_wait3A_172 = arith.constant 0 : i32
      %dma_wait3A_173 = arith.constant 0 : i32
      %dma_wait3A_174 = tpu.memref_slice %arg3[%add3A, %dma_wait3A_172, %dma_wait3A_173] : memref<32x25x2xi32, #tpu.memory_space<hbm>> -> memref<1x25x2xi32, #tpu.memory_space<hbm>>
      %dma_wait3A_175 = tpu.memref_squeeze %dma_wait3A_174 : memref<1x25x2xi32, #tpu.memory_space<hbm>> -> memref<25x2xi32, #tpu.memory_space<hbm>>
      %dma_wait3A_176 = arith.constant 0 : i32
      %dma_wait3A_177 = arith.constant 0 : i32
      %dma_wait3A_178 = tpu.memref_slice %arg3[%add3A, %dma_wait3A_176, %dma_wait3A_177] : memref<32x25x2xi32, #tpu.memory_space<hbm>> -> memref<1x25x2xi32, #tpu.memory_space<hbm>>
      %dma_wait3A_179 = tpu.memref_squeeze %dma_wait3A_178 : memref<1x25x2xi32, #tpu.memory_space<hbm>> -> memref<25x2xi32, #tpu.memory_space<hbm>>
      tpu.wait_dma2 semaphore(%run_scoped3A : memref<!tpu.dma_semaphore, #tpu.memory_space<semaphore_mem>>) src(%dma_wait3A_179 : memref<25x2xi32, #tpu.memory_space<hbm>>) dst(%arg5 : memref<25x2xi32, #tpu.memory_space<vmem>>)
      tpu.yield
    }) : () -> ()
    %scan3A = arith.constant 0 : i32
    %scan3A_5 = arith.constant 0 : i32
    %scan3A_6 = arith.constant 100 : i32
    %scan3A_7 = arith.addi %scan3A_5, %scan3A_6 : i32
    %scan3A_8 = arith.constant 1 : i32
    scf.for %scan3A_164 = %scan3A_5 to %scan3A_7 step %scan3A_8  : i32 {
      %mul3A_165 = arith.constant 4 : i32
      %mul3A_166 = arith.muli %scan3A_164, %mul3A_165 : i32
      %add3A_167 = arith.constant 0 : i32
      %add3A_168 = arith.addi %mul3A_166, %add3A_167 : i32
      %gt3A = arith.constant 0 : i32
      %gt3A_169 = arith.cmpi sgt, %scan3A_164, %gt3A : i32
      %convert_element_type3A = arith.extui %gt3A_169 : i1 to i32
      %cond3A = arith.constant 0 : i32
      %cond3A_170 = arith.cmpi ne, %convert_element_type3A, %cond3A : i32
      scf.if %cond3A_170 {
        %dma_wait3A_289 = arith.constant 0 : i32
        %dma_wait3A_290 = arith.constant 0 : i32
        %dma_wait3A_291 = arith.constant 0 : i32
        %dma_wait3A_292 = arith.constant 0 : i32
        %dma_wait3A_293 = tpu.memref_slice %arg6[%dma_wait3A_289, %dma_wait3A_290, %dma_wait3A_291, %dma_wait3A_292] : memref<4x2x2x1024xf32, #tpu.memory_space<vmem>> -> memref<1x2x2x1024xf32, #tpu.memory_space<vmem>>
        %dma_wait3A_294 = tpu.memref_squeeze %dma_wait3A_293 : memref<1x2x2x1024xf32, #tpu.memory_space<vmem>> -> memref<2x2x1024xf32, #tpu.memory_space<vmem>>
        %dma_wait3A_295 = arith.constant 0 : i32
        %dma_wait3A_296 = arith.constant 0 : i32
        %dma_wait3A_297 = tpu.memref_slice %arg4[%mul3A_4, %dma_wait3A_295, %dma_wait3A_296] : memref<1600x32x1024xf32, #tpu.memory_space<hbm>> -> memref<2x2x1024xf32, #tpu.memory_space<hbm>>
        %dma_wait3A_298 = arith.constant 0 : i32
        %dma_wait3A_299 = arith.constant 0 : i32
        %dma_wait3A_300 = tpu.memref_slice %arg4[%mul3A_4, %dma_wait3A_298, %dma_wait3A_299] : memref<1600x32x1024xf32, #tpu.memory_space<hbm>> -> memref<2x2x1024xf32, #tpu.memory_space<hbm>>
        %dma_wait3A_301 = arith.constant 0 : i32
        %dma_wait3A_302 = arith.constant 0 : i32
        %dma_wait3A_303 = arith.constant 0 : i32
        %dma_wait3A_304 = tpu.memref_slice %arg6[%dma_wait3A_289, %dma_wait3A_301, %dma_wait3A_302, %dma_wait3A_303] : memref<4x2x2x1024xf32, #tpu.memory_space<vmem>> -> memref<1x2x2x1024xf32, #tpu.memory_space<vmem>>
        %dma_wait3A_305 = tpu.memref_squeeze %dma_wait3A_304 : memref<1x2x2x1024xf32, #tpu.memory_space<vmem>> -> memref<2x2x1024xf32, #tpu.memory_space<vmem>>
        tpu.wait_dma2 semaphore(%arg11 : memref<!tpu.dma_semaphore, #tpu.memory_space<semaphore_mem>>) src(%dma_wait3A_305 : memref<2x2x1024xf32, #tpu.memory_space<vmem>>) dst(%dma_wait3A_300 : memref<2x2x1024xf32, #tpu.memory_space<hbm>>)
      } else {
      }
      %div3A_171 = arith.constant 16 : i32
      %div3A_172 = arith.divsi %add3A_168, %div3A_171 : i32
      %rem3A_173 = arith.constant 16 : i32
      %rem3A_174 = arith.remsi %add3A_168, %rem3A_173 : i32
      %mul3A_175 = arith.constant 2 : i32
      %mul3A_176 = arith.muli %rem3A_174, %mul3A_175 : i32
      %dma_start3A_177 = arith.constant 0 : i32
      %dma_start3A_178 = arith.constant 0 : i32
      %dma_start3A_179 = arith.constant 0 : i32
      %dma_start3A_180 = arith.constant 0 : i32
      %dma_start3A_181 = tpu.memref_slice %arg6[%dma_start3A_177, %dma_start3A_178, %dma_start3A_179, %dma_start3A_180] : memref<4x2x2x1024xf32, #tpu.memory_space<vmem>> -> memref<1x2x2x1024xf32, #tpu.memory_space<vmem>>
      %dma_start3A_182 = tpu.memref_squeeze %dma_start3A_181 : memref<1x2x2x1024xf32, #tpu.memory_space<vmem>> -> memref<2x2x1024xf32, #tpu.memory_space<vmem>>
      %dma_start3A_183 = arith.constant 0 : i32
      %dma_start3A_184 = tpu.memref_slice %arg5[%div3A_172, %dma_start3A_183] : memref<25x2xi32, #tpu.memory_space<vmem>> -> memref<1x2xi32, #tpu.memory_space<vmem>>
      %dma_start3A_185 = tpu.memref_squeeze %dma_start3A_184 : memref<1x2xi32, #tpu.memory_space<vmem>> -> memref<2xi32, #tpu.memory_space<vmem>>
      %dma_start3A_186 = arith.constant 0 : i32
      %dma_start3A_187 = arith.constant 0 : i32
      %dma_start3A_188 = tpu.memref_slice %arg2[%dma_start3A_186, %mul3A_176, %dma_start3A_187] : memref<1600x32x1024xf32, #tpu.memory_space<hbm>> -> memref<1600x2x1024xf32, #tpu.memory_space<hbm>>
      tpu.enqueue_indirect_dma source(%dma_start3A_188 : memref<1600x2x1024xf32, #tpu.memory_space<hbm>>) target(%dma_start3A_182 : memref<2x2x1024xf32, #tpu.memory_space<vmem>>) offsets(%dma_start3A_185 : memref<2xi32, #tpu.memory_space<vmem>>) semaphore(%arg7 : memref<!tpu.dma_semaphore, #tpu.memory_space<semaphore_mem>>)
      %ge3A = arith.constant 2 : i32
      %ge3A_189 = arith.cmpi sge, %add3A_168, %ge3A : i32
      %convert_element_type3A_190 = arith.extui %ge3A_189 : i1 to i32
      %cond3A_191 = arith.constant 0 : i32
      %cond3A_192 = arith.cmpi ne, %convert_element_type3A_190, %cond3A_191 : i32
      scf.if %cond3A_192 {
        %dma_wait3A_289 = arith.constant 2 : i32
        %dma_wait3A_290 = arith.constant 0 : i32
        %dma_wait3A_291 = arith.constant 0 : i32
        %dma_wait3A_292 = arith.constant 0 : i32
        %dma_wait3A_293 = tpu.memref_slice %arg6[%dma_wait3A_289, %dma_wait3A_290, %dma_wait3A_291, %dma_wait3A_292] : memref<4x2x2x1024xf32, #tpu.memory_space<vmem>> -> memref<1x2x2x1024xf32, #tpu.memory_space<vmem>>
        %dma_wait3A_294 = tpu.memref_squeeze %dma_wait3A_293 : memref<1x2x2x1024xf32, #tpu.memory_space<vmem>> -> memref<2x2x1024xf32, #tpu.memory_space<vmem>>
        %dma_wait3A_295 = arith.constant 0 : i32
        %dma_wait3A_296 = arith.constant 0 : i32
        %dma_wait3A_297 = arith.constant 0 : i32
        %dma_wait3A_298 = tpu.memref_slice %arg2[%dma_wait3A_295, %dma_wait3A_296, %dma_wait3A_297] : memref<1600x32x1024xf32, #tpu.memory_space<hbm>> -> memref<2x2x1024xf32, #tpu.memory_space<hbm>>
        %dma_wait3A_299 = arith.constant 0 : i32
        %dma_wait3A_300 = arith.constant 0 : i32
        %dma_wait3A_301 = arith.constant 0 : i32
        %dma_wait3A_302 = tpu.memref_slice %arg6[%dma_wait3A_289, %dma_wait3A_299, %dma_wait3A_300, %dma_wait3A_301] : memref<4x2x2x1024xf32, #tpu.memory_space<vmem>> -> memref<1x2x2x1024xf32, #tpu.memory_space<vmem>>
        %dma_wait3A_303 = tpu.memref_squeeze %dma_wait3A_302 : memref<1x2x2x1024xf32, #tpu.memory_space<vmem>> -> memref<2x2x1024xf32, #tpu.memory_space<vmem>>
        %dma_wait3A_304 = arith.constant 0 : i32
        %dma_wait3A_305 = arith.constant 0 : i32
        %dma_wait3A_306 = arith.constant 0 : i32
        %dma_wait3A_307 = tpu.memref_slice %arg2[%dma_wait3A_304, %dma_wait3A_305, %dma_wait3A_306] : memref<1600x32x1024xf32, #tpu.memory_space<hbm>> -> memref<2x2x1024xf32, #tpu.memory_space<hbm>>
        tpu.wait_dma2 semaphore(%arg9 : memref<!tpu.dma_semaphore, #tpu.memory_space<semaphore_mem>>) src(%dma_wait3A_307 : memref<2x2x1024xf32, #tpu.memory_space<hbm>>) dst(%dma_wait3A_303 : memref<2x2x1024xf32, #tpu.memory_space<vmem>>)
        %sub3A = arith.constant 2 : i32
        %sub3A_308 = arith.subi %add3A_168, %sub3A : i32
        %div3A_309 = arith.constant 16 : i32
        %div3A_310 = arith.divsi %sub3A_308, %div3A_309 : i32
        %rem3A_311 = arith.constant 16 : i32
        %rem3A_312 = arith.remsi %sub3A_308, %rem3A_311 : i32
        %mul3A_313 = arith.constant 2 : i32
        %mul3A_314 = arith.muli %mul3A_313, %div3A_310 : i32
        %add3A_315 = arith.addi %mul3A_4, %mul3A_314 : i32
        %mul3A_316 = arith.constant 2 : i32
        %mul3A_317 = arith.muli %rem3A_312, %mul3A_316 : i32
        %dma_start3A_318 = arith.constant 2 : i32
        %dma_start3A_319 = arith.constant 0 : i32
        %dma_start3A_320 = arith.constant 0 : i32
        %dma_start3A_321 = arith.constant 0 : i32
        %dma_start3A_322 = tpu.memref_slice %arg6[%dma_start3A_318, %dma_start3A_319, %dma_start3A_320, %dma_start3A_321] : memref<4x2x2x1024xf32, #tpu.memory_space<vmem>> -> memref<1x2x2x1024xf32, #tpu.memory_space<vmem>>
        %dma_start3A_323 = tpu.memref_squeeze %dma_start3A_322 : memref<1x2x2x1024xf32, #tpu.memory_space<vmem>> -> memref<2x2x1024xf32, #tpu.memory_space<vmem>>
        %dma_start3A_324 = arith.constant 0 : i32
        %dma_start3A_325 = tpu.memref_slice %arg4[%add3A_315, %mul3A_317, %dma_start3A_324] : memref<1600x32x1024xf32, #tpu.memory_space<hbm>> -> memref<2x2x1024xf32, #tpu.memory_space<hbm>>
        %dma_start3A_326 = arith.constant 0 : i32
        %dma_start3A_327 = tpu.memref_slice %arg4[%add3A_315, %mul3A_317, %dma_start3A_326] : memref<1600x32x1024xf32, #tpu.memory_space<hbm>> -> memref<2x2x1024xf32, #tpu.memory_space<hbm>>
        %dma_start3A_328 = arith.constant 0 : i32
        %dma_start3A_329 = arith.constant 0 : i32
        %dma_start3A_330 = arith.constant 0 : i32
        %dma_start3A_331 = tpu.memref_slice %arg6[%dma_start3A_318, %dma_start3A_328, %dma_start3A_329, %dma_start3A_330] : memref<4x2x2x1024xf32, #tpu.memory_space<vmem>> -> memref<1x2x2x1024xf32, #tpu.memory_space<vmem>>
        %dma_start3A_332 = tpu.memref_squeeze %dma_start3A_331 : memref<1x2x2x1024xf32, #tpu.memory_space<vmem>> -> memref<2x2x1024xf32, #tpu.memory_space<vmem>>
        tpu.enqueue_dma source(%dma_start3A_332 : memref<2x2x1024xf32, #tpu.memory_space<vmem>>) target(%dma_start3A_327 : memref<2x2x1024xf32, #tpu.memory_space<hbm>>) target_semaphore(%arg13 : memref<!tpu.dma_semaphore, #tpu.memory_space<semaphore_mem>>)
      } else {
      }
      %mul3A_193 = arith.constant 4 : i32
      %mul3A_194 = arith.muli %scan3A_164, %mul3A_193 : i32
      %add3A_195 = arith.constant 1 : i32
      %add3A_196 = arith.addi %mul3A_194, %add3A_195 : i32
      %gt3A_197 = arith.constant 0 : i32
      %gt3A_198 = arith.cmpi sgt, %scan3A_164, %gt3A_197 : i32
      %convert_element_type3A_199 = arith.extui %gt3A_198 : i1 to i32
      %cond3A_200 = arith.constant 0 : i32
      %cond3A_201 = arith.cmpi ne, %convert_element_type3A_199, %cond3A_200 : i32
      scf.if %cond3A_201 {
        %dma_wait3A_289 = arith.constant 1 : i32
        %dma_wait3A_290 = arith.constant 0 : i32
        %dma_wait3A_291 = arith.constant 0 : i32
        %dma_wait3A_292 = arith.constant 0 : i32
        %dma_wait3A_293 = tpu.memref_slice %arg6[%dma_wait3A_289, %dma_wait3A_290, %dma_wait3A_291, %dma_wait3A_292] : memref<4x2x2x1024xf32, #tpu.memory_space<vmem>> -> memref<1x2x2x1024xf32, #tpu.memory_space<vmem>>
        %dma_wait3A_294 = tpu.memref_squeeze %dma_wait3A_293 : memref<1x2x2x1024xf32, #tpu.memory_space<vmem>> -> memref<2x2x1024xf32, #tpu.memory_space<vmem>>
        %dma_wait3A_295 = arith.constant 0 : i32
        %dma_wait3A_296 = arith.constant 0 : i32
        %dma_wait3A_297 = tpu.memref_slice %arg4[%mul3A_4, %dma_wait3A_295, %dma_wait3A_296] : memref<1600x32x1024xf32, #tpu.memory_space<hbm>> -> memref<2x2x1024xf32, #tpu.memory_space<hbm>>
        %dma_wait3A_298 = arith.constant 0 : i32
        %dma_wait3A_299 = arith.constant 0 : i32
        %dma_wait3A_300 = tpu.memref_slice %arg4[%mul3A_4, %dma_wait3A_298, %dma_wait3A_299] : memref<1600x32x1024xf32, #tpu.memory_space<hbm>> -> memref<2x2x1024xf32, #tpu.memory_space<hbm>>
        %dma_wait3A_301 = arith.constant 0 : i32
        %dma_wait3A_302 = arith.constant 0 : i32
        %dma_wait3A_303 = arith.constant 0 : i32
        %dma_wait3A_304 = tpu.memref_slice %arg6[%dma_wait3A_289, %dma_wait3A_301, %dma_wait3A_302, %dma_wait3A_303] : memref<4x2x2x1024xf32, #tpu.memory_space<vmem>> -> memref<1x2x2x1024xf32, #tpu.memory_space<vmem>>
        %dma_wait3A_305 = tpu.memref_squeeze %dma_wait3A_304 : memref<1x2x2x1024xf32, #tpu.memory_space<vmem>> -> memref<2x2x1024xf32, #tpu.memory_space<vmem>>
        tpu.wait_dma2 semaphore(%arg12 : memref<!tpu.dma_semaphore, #tpu.memory_space<semaphore_mem>>) src(%dma_wait3A_305 : memref<2x2x1024xf32, #tpu.memory_space<vmem>>) dst(%dma_wait3A_300 : memref<2x2x1024xf32, #tpu.memory_space<hbm>>)
      } else {
      }
      %div3A_202 = arith.constant 16 : i32
      %div3A_203 = arith.divsi %add3A_196, %div3A_202 : i32
      %rem3A_204 = arith.constant 16 : i32
      %rem3A_205 = arith.remsi %add3A_196, %rem3A_204 : i32
      %mul3A_206 = arith.constant 2 : i32
      %mul3A_207 = arith.muli %rem3A_205, %mul3A_206 : i32
      %dma_start3A_208 = arith.constant 1 : i32
      %dma_start3A_209 = arith.constant 0 : i32
      %dma_start3A_210 = arith.constant 0 : i32
      %dma_start3A_211 = arith.constant 0 : i32
      %dma_start3A_212 = tpu.memref_slice %arg6[%dma_start3A_208, %dma_start3A_209, %dma_start3A_210, %dma_start3A_211] : memref<4x2x2x1024xf32, #tpu.memory_space<vmem>> -> memref<1x2x2x1024xf32, #tpu.memory_space<vmem>>
      %dma_start3A_213 = tpu.memref_squeeze %dma_start3A_212 : memref<1x2x2x1024xf32, #tpu.memory_space<vmem>> -> memref<2x2x1024xf32, #tpu.memory_space<vmem>>
      %dma_start3A_214 = arith.constant 0 : i32
      %dma_start3A_215 = tpu.memref_slice %arg5[%div3A_203, %dma_start3A_214] : memref<25x2xi32, #tpu.memory_space<vmem>> -> memref<1x2xi32, #tpu.memory_space<vmem>>
      %dma_start3A_216 = tpu.memref_squeeze %dma_start3A_215 : memref<1x2xi32, #tpu.memory_space<vmem>> -> memref<2xi32, #tpu.memory_space<vmem>>
      %dma_start3A_217 = arith.constant 0 : i32
      %dma_start3A_218 = arith.constant 0 : i32
      %dma_start3A_219 = tpu.memref_slice %arg2[%dma_start3A_217, %mul3A_207, %dma_start3A_218] : memref<1600x32x1024xf32, #tpu.memory_space<hbm>> -> memref<1600x2x1024xf32, #tpu.memory_space<hbm>>
      tpu.enqueue_indirect_dma source(%dma_start3A_219 : memref<1600x2x1024xf32, #tpu.memory_space<hbm>>) target(%dma_start3A_213 : memref<2x2x1024xf32, #tpu.memory_space<vmem>>) offsets(%dma_start3A_216 : memref<2xi32, #tpu.memory_space<vmem>>) semaphore(%arg8 : memref<!tpu.dma_semaphore, #tpu.memory_space<semaphore_mem>>)
      %ge3A_220 = arith.constant 2 : i32
      %ge3A_221 = arith.cmpi sge, %add3A_196, %ge3A_220 : i32
      %convert_element_type3A_222 = arith.extui %ge3A_221 : i1 to i32
      %cond3A_223 = arith.constant 0 : i32
      %cond3A_224 = arith.cmpi ne, %convert_element_type3A_222, %cond3A_223 : i32
      scf.if %cond3A_224 {
        %dma_wait3A_289 = arith.constant 3 : i32
        %dma_wait3A_290 = arith.constant 0 : i32
        %dma_wait3A_291 = arith.constant 0 : i32
        %dma_wait3A_292 = arith.constant 0 : i32
        %dma_wait3A_293 = tpu.memref_slice %arg6[%dma_wait3A_289, %dma_wait3A_290, %dma_wait3A_291, %dma_wait3A_292] : memref<4x2x2x1024xf32, #tpu.memory_space<vmem>> -> memref<1x2x2x1024xf32, #tpu.memory_space<vmem>>
        %dma_wait3A_294 = tpu.memref_squeeze %dma_wait3A_293 : memref<1x2x2x1024xf32, #tpu.memory_space<vmem>> -> memref<2x2x1024xf32, #tpu.memory_space<vmem>>
        %dma_wait3A_295 = arith.constant 0 : i32
        %dma_wait3A_296 = arith.constant 0 : i32
        %dma_wait3A_297 = arith.constant 0 : i32
        %dma_wait3A_298 = tpu.memref_slice %arg2[%dma_wait3A_295, %dma_wait3A_296, %dma_wait3A_297] : memref<1600x32x1024xf32, #tpu.memory_space<hbm>> -> memref<2x2x1024xf32, #tpu.memory_space<hbm>>
        %dma_wait3A_299 = arith.constant 0 : i32
        %dma_wait3A_300 = arith.constant 0 : i32
        %dma_wait3A_301 = arith.constant 0 : i32
        %dma_wait3A_302 = tpu.memref_slice %arg6[%dma_wait3A_289, %dma_wait3A_299, %dma_wait3A_300, %dma_wait3A_301] : memref<4x2x2x1024xf32, #tpu.memory_space<vmem>> -> memref<1x2x2x1024xf32, #tpu.memory_space<vmem>>
        %dma_wait3A_303 = tpu.memref_squeeze %dma_wait3A_302 : memref<1x2x2x1024xf32, #tpu.memory_space<vmem>> -> memref<2x2x1024xf32, #tpu.memory_space<vmem>>
        %dma_wait3A_304 = arith.constant 0 : i32
        %dma_wait3A_305 = arith.constant 0 : i32
        %dma_wait3A_306 = arith.constant 0 : i32
        %dma_wait3A_307 = tpu.memref_slice %arg2[%dma_wait3A_304, %dma_wait3A_305, %dma_wait3A_306] : memref<1600x32x1024xf32, #tpu.memory_space<hbm>> -> memref<2x2x1024xf32, #tpu.memory_space<hbm>>
        tpu.wait_dma2 semaphore(%arg10 : memref<!tpu.dma_semaphore, #tpu.memory_space<semaphore_mem>>) src(%dma_wait3A_307 : memref<2x2x1024xf32, #tpu.memory_space<hbm>>) dst(%dma_wait3A_303 : memref<2x2x1024xf32, #tpu.memory_space<vmem>>)
        %sub3A = arith.constant 2 : i32
        %sub3A_308 = arith.subi %add3A_196, %sub3A : i32
        %div3A_309 = arith.constant 16 : i32
        %div3A_310 = arith.divsi %sub3A_308, %div3A_309 : i32
        %rem3A_311 = arith.constant 16 : i32
        %rem3A_312 = arith.remsi %sub3A_308, %rem3A_311 : i32
        %mul3A_313 = arith.constant 2 : i32
        %mul3A_314 = arith.muli %mul3A_313, %div3A_310 : i32
        %add3A_315 = arith.addi %mul3A_4, %mul3A_314 : i32
        %mul3A_316 = arith.constant 2 : i32
        %mul3A_317 = arith.muli %rem3A_312, %mul3A_316 : i32
        %dma_start3A_318 = arith.constant 3 : i32
        %dma_start3A_319 = arith.constant 0 : i32
        %dma_start3A_320 = arith.constant 0 : i32
        %dma_start3A_321 = arith.constant 0 : i32
        %dma_start3A_322 = tpu.memref_slice %arg6[%dma_start3A_318, %dma_start3A_319, %dma_start3A_320, %dma_start3A_321] : memref<4x2x2x1024xf32, #tpu.memory_space<vmem>> -> memref<1x2x2x1024xf32, #tpu.memory_space<vmem>>
        %dma_start3A_323 = tpu.memref_squeeze %dma_start3A_322 : memref<1x2x2x1024xf32, #tpu.memory_space<vmem>> -> memref<2x2x1024xf32, #tpu.memory_space<vmem>>
        %dma_start3A_324 = arith.constant 0 : i32
        %dma_start3A_325 = tpu.memref_slice %arg4[%add3A_315, %mul3A_317, %dma_start3A_324] : memref<1600x32x1024xf32, #tpu.memory_space<hbm>> -> memref<2x2x1024xf32, #tpu.memory_space<hbm>>
        %dma_start3A_326 = arith.constant 0 : i32
        %dma_start3A_327 = tpu.memref_slice %arg4[%add3A_315, %mul3A_317, %dma_start3A_326] : memref<1600x32x1024xf32, #tpu.memory_space<hbm>> -> memref<2x2x1024xf32, #tpu.memory_space<hbm>>
        %dma_start3A_328 = arith.constant 0 : i32
        %dma_start3A_329 = arith.constant 0 : i32
        %dma_start3A_330 = arith.constant 0 : i32
        %dma_start3A_331 = tpu.memref_slice %arg6[%dma_start3A_318, %dma_start3A_328, %dma_start3A_329, %dma_start3A_330] : memref<4x2x2x1024xf32, #tpu.memory_space<vmem>> -> memref<1x2x2x1024xf32, #tpu.memory_space<vmem>>
        %dma_start3A_332 = tpu.memref_squeeze %dma_start3A_331 : memref<1x2x2x1024xf32, #tpu.memory_space<vmem>> -> memref<2x2x1024xf32, #tpu.memory_space<vmem>>
        tpu.enqueue_dma source(%dma_start3A_332 : memref<2x2x1024xf32, #tpu.memory_space<vmem>>) target(%dma_start3A_327 : memref<2x2x1024xf32, #tpu.memory_space<hbm>>) target_semaphore(%arg14 : memref<!tpu.dma_semaphore, #tpu.memory_space<semaphore_mem>>)
      } else {
      }
      %mul3A_225 = arith.constant 4 : i32
      %mul3A_226 = arith.muli %scan3A_164, %mul3A_225 : i32
      %add3A_227 = arith.constant 2 : i32
      %add3A_228 = arith.addi %mul3A_226, %add3A_227 : i32
      %gt3A_229 = arith.constant 0 : i32
      %gt3A_230 = arith.cmpi sgt, %scan3A_164, %gt3A_229 : i32
      %convert_element_type3A_231 = arith.extui %gt3A_230 : i1 to i32
      %cond3A_232 = arith.constant 0 : i32
      %cond3A_233 = arith.cmpi ne, %convert_element_type3A_231, %cond3A_232 : i32
      scf.if %cond3A_233 {
        %dma_wait3A_289 = arith.constant 2 : i32
        %dma_wait3A_290 = arith.constant 0 : i32
        %dma_wait3A_291 = arith.constant 0 : i32
        %dma_wait3A_292 = arith.constant 0 : i32
        %dma_wait3A_293 = tpu.memref_slice %arg6[%dma_wait3A_289, %dma_wait3A_290, %dma_wait3A_291, %dma_wait3A_292] : memref<4x2x2x1024xf32, #tpu.memory_space<vmem>> -> memref<1x2x2x1024xf32, #tpu.memory_space<vmem>>
        %dma_wait3A_294 = tpu.memref_squeeze %dma_wait3A_293 : memref<1x2x2x1024xf32, #tpu.memory_space<vmem>> -> memref<2x2x1024xf32, #tpu.memory_space<vmem>>
        %dma_wait3A_295 = arith.constant 0 : i32
        %dma_wait3A_296 = arith.constant 0 : i32
        %dma_wait3A_297 = tpu.memref_slice %arg4[%mul3A_4, %dma_wait3A_295, %dma_wait3A_296] : memref<1600x32x1024xf32, #tpu.memory_space<hbm>> -> memref<2x2x1024xf32, #tpu.memory_space<hbm>>
        %dma_wait3A_298 = arith.constant 0 : i32
        %dma_wait3A_299 = arith.constant 0 : i32
        %dma_wait3A_300 = tpu.memref_slice %arg4[%mul3A_4, %dma_wait3A_298, %dma_wait3A_299] : memref<1600x32x1024xf32, #tpu.memory_space<hbm>> -> memref<2x2x1024xf32, #tpu.memory_space<hbm>>
        %dma_wait3A_301 = arith.constant 0 : i32
        %dma_wait3A_302 = arith.constant 0 : i32
        %dma_wait3A_303 = arith.constant 0 : i32
        %dma_wait3A_304 = tpu.memref_slice %arg6[%dma_wait3A_289, %dma_wait3A_301, %dma_wait3A_302, %dma_wait3A_303] : memref<4x2x2x1024xf32, #tpu.memory_space<vmem>> -> memref<1x2x2x1024xf32, #tpu.memory_space<vmem>>
        %dma_wait3A_305 = tpu.memref_squeeze %dma_wait3A_304 : memref<1x2x2x1024xf32, #tpu.memory_space<vmem>> -> memref<2x2x1024xf32, #tpu.memory_space<vmem>>
        tpu.wait_dma2 semaphore(%arg13 : memref<!tpu.dma_semaphore, #tpu.memory_space<semaphore_mem>>) src(%dma_wait3A_305 : memref<2x2x1024xf32, #tpu.memory_space<vmem>>) dst(%dma_wait3A_300 : memref<2x2x1024xf32, #tpu.memory_space<hbm>>)
      } else {
      }
      %div3A_234 = arith.constant 16 : i32
      %div3A_235 = arith.divsi %add3A_228, %div3A_234 : i32
      %rem3A_236 = arith.constant 16 : i32
      %rem3A_237 = arith.remsi %add3A_228, %rem3A_236 : i32
      %mul3A_238 = arith.constant 2 : i32
      %mul3A_239 = arith.muli %rem3A_237, %mul3A_238 : i32
      %dma_start3A_240 = arith.constant 2 : i32
      %dma_start3A_241 = arith.constant 0 : i32
      %dma_start3A_242 = arith.constant 0 : i32
      %dma_start3A_243 = arith.constant 0 : i32
      %dma_start3A_244 = tpu.memref_slice %arg6[%dma_start3A_240, %dma_start3A_241, %dma_start3A_242, %dma_start3A_243] : memref<4x2x2x1024xf32, #tpu.memory_space<vmem>> -> memref<1x2x2x1024xf32, #tpu.memory_space<vmem>>
      %dma_start3A_245 = tpu.memref_squeeze %dma_start3A_244 : memref<1x2x2x1024xf32, #tpu.memory_space<vmem>> -> memref<2x2x1024xf32, #tpu.memory_space<vmem>>
      %dma_start3A_246 = arith.constant 0 : i32
      %dma_start3A_247 = tpu.memref_slice %arg5[%div3A_235, %dma_start3A_246] : memref<25x2xi32, #tpu.memory_space<vmem>> -> memref<1x2xi32, #tpu.memory_space<vmem>>
      %dma_start3A_248 = tpu.memref_squeeze %dma_start3A_247 : memref<1x2xi32, #tpu.memory_space<vmem>> -> memref<2xi32, #tpu.memory_space<vmem>>
      %dma_start3A_249 = arith.constant 0 : i32
      %dma_start3A_250 = arith.constant 0 : i32
      %dma_start3A_251 = tpu.memref_slice %arg2[%dma_start3A_249, %mul3A_239, %dma_start3A_250] : memref<1600x32x1024xf32, #tpu.memory_space<hbm>> -> memref<1600x2x1024xf32, #tpu.memory_space<hbm>>
      tpu.enqueue_indirect_dma source(%dma_start3A_251 : memref<1600x2x1024xf32, #tpu.memory_space<hbm>>) target(%dma_start3A_245 : memref<2x2x1024xf32, #tpu.memory_space<vmem>>) offsets(%dma_start3A_248 : memref<2xi32, #tpu.memory_space<vmem>>) semaphore(%arg9 : memref<!tpu.dma_semaphore, #tpu.memory_space<semaphore_mem>>)
      %ge3A_252 = arith.constant 2 : i32
      %ge3A_253 = arith.cmpi sge, %add3A_228, %ge3A_252 : i32
      %convert_element_type3A_254 = arith.extui %ge3A_253 : i1 to i32
      %cond3A_255 = arith.constant 0 : i32
      %cond3A_256 = arith.cmpi ne, %convert_element_type3A_254, %cond3A_255 : i32
      scf.if %cond3A_256 {
        %dma_wait3A_289 = arith.constant 0 : i32
        %dma_wait3A_290 = arith.constant 0 : i32
        %dma_wait3A_291 = arith.constant 0 : i32
        %dma_wait3A_292 = arith.constant 0 : i32
        %dma_wait3A_293 = tpu.memref_slice %arg6[%dma_wait3A_289, %dma_wait3A_290, %dma_wait3A_291, %dma_wait3A_292] : memref<4x2x2x1024xf32, #tpu.memory_space<vmem>> -> memref<1x2x2x1024xf32, #tpu.memory_space<vmem>>
        %dma_wait3A_294 = tpu.memref_squeeze %dma_wait3A_293 : memref<1x2x2x1024xf32, #tpu.memory_space<vmem>> -> memref<2x2x1024xf32, #tpu.memory_space<vmem>>
        %dma_wait3A_295 = arith.constant 0 : i32
        %dma_wait3A_296 = arith.constant 0 : i32
        %dma_wait3A_297 = arith.constant 0 : i32
        %dma_wait3A_298 = tpu.memref_slice %arg2[%dma_wait3A_295, %dma_wait3A_296, %dma_wait3A_297] : memref<1600x32x1024xf32, #tpu.memory_space<hbm>> -> memref<2x2x1024xf32, #tpu.memory_space<hbm>>
        %dma_wait3A_299 = arith.constant 0 : i32
        %dma_wait3A_300 = arith.constant 0 : i32
        %dma_wait3A_301 = arith.constant 0 : i32
        %dma_wait3A_302 = tpu.memref_slice %arg6[%dma_wait3A_289, %dma_wait3A_299, %dma_wait3A_300, %dma_wait3A_301] : memref<4x2x2x1024xf32, #tpu.memory_space<vmem>> -> memref<1x2x2x1024xf32, #tpu.memory_space<vmem>>
        %dma_wait3A_303 = tpu.memref_squeeze %dma_wait3A_302 : memref<1x2x2x1024xf32, #tpu.memory_space<vmem>> -> memref<2x2x1024xf32, #tpu.memory_space<vmem>>
        %dma_wait3A_304 = arith.constant 0 : i32
        %dma_wait3A_305 = arith.constant 0 : i32
        %dma_wait3A_306 = arith.constant 0 : i32
        %dma_wait3A_307 = tpu.memref_slice %arg2[%dma_wait3A_304, %dma_wait3A_305, %dma_wait3A_306] : memref<1600x32x1024xf32, #tpu.memory_space<hbm>> -> memref<2x2x1024xf32, #tpu.memory_space<hbm>>
        tpu.wait_dma2 semaphore(%arg7 : memref<!tpu.dma_semaphore, #tpu.memory_space<semaphore_mem>>) src(%dma_wait3A_307 : memref<2x2x1024xf32, #tpu.memory_space<hbm>>) dst(%dma_wait3A_303 : memref<2x2x1024xf32, #tpu.memory_space<vmem>>)
        %sub3A = arith.constant 2 : i32
        %sub3A_308 = arith.subi %add3A_228, %sub3A : i32
        %div3A_309 = arith.constant 16 : i32
        %div3A_310 = arith.divsi %sub3A_308, %div3A_309 : i32
        %rem3A_311 = arith.constant 16 : i32
        %rem3A_312 = arith.remsi %sub3A_308, %rem3A_311 : i32
        %mul3A_313 = arith.constant 2 : i32
        %mul3A_314 = arith.muli %mul3A_313, %div3A_310 : i32
        %add3A_315 = arith.addi %mul3A_4, %mul3A_314 : i32
        %mul3A_316 = arith.constant 2 : i32
        %mul3A_317 = arith.muli %rem3A_312, %mul3A_316 : i32
        %dma_start3A_318 = arith.constant 0 : i32
        %dma_start3A_319 = arith.constant 0 : i32
        %dma_start3A_320 = arith.constant 0 : i32
        %dma_start3A_321 = arith.constant 0 : i32
        %dma_start3A_322 = tpu.memref_slice %arg6[%dma_start3A_318, %dma_start3A_319, %dma_start3A_320, %dma_start3A_321] : memref<4x2x2x1024xf32, #tpu.memory_space<vmem>> -> memref<1x2x2x1024xf32, #tpu.memory_space<vmem>>
        %dma_start3A_323 = tpu.memref_squeeze %dma_start3A_322 : memref<1x2x2x1024xf32, #tpu.memory_space<vmem>> -> memref<2x2x1024xf32, #tpu.memory_space<vmem>>
        %dma_start3A_324 = arith.constant 0 : i32
        %dma_start3A_325 = tpu.memref_slice %arg4[%add3A_315, %mul3A_317, %dma_start3A_324] : memref<1600x32x1024xf32, #tpu.memory_space<hbm>> -> memref<2x2x1024xf32, #tpu.memory_space<hbm>>
        %dma_start3A_326 = arith.constant 0 : i32
        %dma_start3A_327 = tpu.memref_slice %arg4[%add3A_315, %mul3A_317, %dma_start3A_326] : memref<1600x32x1024xf32, #tpu.memory_space<hbm>> -> memref<2x2x1024xf32, #tpu.memory_space<hbm>>
        %dma_start3A_328 = arith.constant 0 : i32
        %dma_start3A_329 = arith.constant 0 : i32
        %dma_start3A_330 = arith.constant 0 : i32
        %dma_start3A_331 = tpu.memref_slice %arg6[%dma_start3A_318, %dma_start3A_328, %dma_start3A_329, %dma_start3A_330] : memref<4x2x2x1024xf32, #tpu.memory_space<vmem>> -> memref<1x2x2x1024xf32, #tpu.memory_space<vmem>>
        %dma_start3A_332 = tpu.memref_squeeze %dma_start3A_331 : memref<1x2x2x1024xf32, #tpu.memory_space<vmem>> -> memref<2x2x1024xf32, #tpu.memory_space<vmem>>
        tpu.enqueue_dma source(%dma_start3A_332 : memref<2x2x1024xf32, #tpu.memory_space<vmem>>) target(%dma_start3A_327 : memref<2x2x1024xf32, #tpu.memory_space<hbm>>) target_semaphore(%arg11 : memref<!tpu.dma_semaphore, #tpu.memory_space<semaphore_mem>>)
      } else {
      }
      %mul3A_257 = arith.constant 4 : i32
      %mul3A_258 = arith.muli %scan3A_164, %mul3A_257 : i32
      %add3A_259 = arith.constant 3 : i32
      %add3A_260 = arith.addi %mul3A_258, %add3A_259 : i32
      %gt3A_261 = arith.constant 0 : i32
      %gt3A_262 = arith.cmpi sgt, %scan3A_164, %gt3A_261 : i32
      %convert_element_type3A_263 = arith.extui %gt3A_262 : i1 to i32
      %cond3A_264 = arith.constant 0 : i32
      %cond3A_265 = arith.cmpi ne, %convert_element_type3A_263, %cond3A_264 : i32
      scf.if %cond3A_265 {
        %dma_wait3A_289 = arith.constant 3 : i32
        %dma_wait3A_290 = arith.constant 0 : i32
        %dma_wait3A_291 = arith.constant 0 : i32
        %dma_wait3A_292 = arith.constant 0 : i32
        %dma_wait3A_293 = tpu.memref_slice %arg6[%dma_wait3A_289, %dma_wait3A_290, %dma_wait3A_291, %dma_wait3A_292] : memref<4x2x2x1024xf32, #tpu.memory_space<vmem>> -> memref<1x2x2x1024xf32, #tpu.memory_space<vmem>>
        %dma_wait3A_294 = tpu.memref_squeeze %dma_wait3A_293 : memref<1x2x2x1024xf32, #tpu.memory_space<vmem>> -> memref<2x2x1024xf32, #tpu.memory_space<vmem>>
        %dma_wait3A_295 = arith.constant 0 : i32
        %dma_wait3A_296 = arith.constant 0 : i32
        %dma_wait3A_297 = tpu.memref_slice %arg4[%mul3A_4, %dma_wait3A_295, %dma_wait3A_296] : memref<1600x32x1024xf32, #tpu.memory_space<hbm>> -> memref<2x2x1024xf32, #tpu.memory_space<hbm>>
        %dma_wait3A_298 = arith.constant 0 : i32
        %dma_wait3A_299 = arith.constant 0 : i32
        %dma_wait3A_300 = tpu.memref_slice %arg4[%mul3A_4, %dma_wait3A_298, %dma_wait3A_299] : memref<1600x32x1024xf32, #tpu.memory_space<hbm>> -> memref<2x2x1024xf32, #tpu.memory_space<hbm>>
        %dma_wait3A_301 = arith.constant 0 : i32
        %dma_wait3A_302 = arith.constant 0 : i32
        %dma_wait3A_303 = arith.constant 0 : i32
        %dma_wait3A_304 = tpu.memref_slice %arg6[%dma_wait3A_289, %dma_wait3A_301, %dma_wait3A_302, %dma_wait3A_303] : memref<4x2x2x1024xf32, #tpu.memory_space<vmem>> -> memref<1x2x2x1024xf32, #tpu.memory_space<vmem>>
        %dma_wait3A_305 = tpu.memref_squeeze %dma_wait3A_304 : memref<1x2x2x1024xf32, #tpu.memory_space<vmem>> -> memref<2x2x1024xf32, #tpu.memory_space<vmem>>
        tpu.wait_dma2 semaphore(%arg14 : memref<!tpu.dma_semaphore, #tpu.memory_space<semaphore_mem>>) src(%dma_wait3A_305 : memref<2x2x1024xf32, #tpu.memory_space<vmem>>) dst(%dma_wait3A_300 : memref<2x2x1024xf32, #tpu.memory_space<hbm>>)
      } else {
      }
      %div3A_266 = arith.constant 16 : i32
      %div3A_267 = arith.divsi %add3A_260, %div3A_266 : i32
      %rem3A_268 = arith.constant 16 : i32
      %rem3A_269 = arith.remsi %add3A_260, %rem3A_268 : i32
      %mul3A_270 = arith.constant 2 : i32
      %mul3A_271 = arith.muli %rem3A_269, %mul3A_270 : i32
      %dma_start3A_272 = arith.constant 3 : i32
      %dma_start3A_273 = arith.constant 0 : i32
      %dma_start3A_274 = arith.constant 0 : i32
      %dma_start3A_275 = arith.constant 0 : i32
      %dma_start3A_276 = tpu.memref_slice %arg6[%dma_start3A_272, %dma_start3A_273, %dma_start3A_274, %dma_start3A_275] : memref<4x2x2x1024xf32, #tpu.memory_space<vmem>> -> memref<1x2x2x1024xf32, #tpu.memory_space<vmem>>
      %dma_start3A_277 = tpu.memref_squeeze %dma_start3A_276 : memref<1x2x2x1024xf32, #tpu.memory_space<vmem>> -> memref<2x2x1024xf32, #tpu.memory_space<vmem>>
      %dma_start3A_278 = arith.constant 0 : i32
      %dma_start3A_279 = tpu.memref_slice %arg5[%div3A_267, %dma_start3A_278] : memref<25x2xi32, #tpu.memory_space<vmem>> -> memref<1x2xi32, #tpu.memory_space<vmem>>
      %dma_start3A_280 = tpu.memref_squeeze %dma_start3A_279 : memref<1x2xi32, #tpu.memory_space<vmem>> -> memref<2xi32, #tpu.memory_space<vmem>>
      %dma_start3A_281 = arith.constant 0 : i32
      %dma_start3A_282 = arith.constant 0 : i32
      %dma_start3A_283 = tpu.memref_slice %arg2[%dma_start3A_281, %mul3A_271, %dma_start3A_282] : memref<1600x32x1024xf32, #tpu.memory_space<hbm>> -> memref<1600x2x1024xf32, #tpu.memory_space<hbm>>
      tpu.enqueue_indirect_dma source(%dma_start3A_283 : memref<1600x2x1024xf32, #tpu.memory_space<hbm>>) target(%dma_start3A_277 : memref<2x2x1024xf32, #tpu.memory_space<vmem>>) offsets(%dma_start3A_280 : memref<2xi32, #tpu.memory_space<vmem>>) semaphore(%arg10 : memref<!tpu.dma_semaphore, #tpu.memory_space<semaphore_mem>>)
      %ge3A_284 = arith.constant 2 : i32
      %ge3A_285 = arith.cmpi sge, %add3A_260, %ge3A_284 : i32
      %convert_element_type3A_286 = arith.extui %ge3A_285 : i1 to i32
      %cond3A_287 = arith.constant 0 : i32
      %cond3A_288 = arith.cmpi ne, %convert_element_type3A_286, %cond3A_287 : i32
      scf.if %cond3A_288 {
        %dma_wait3A_289 = arith.constant 1 : i32
        %dma_wait3A_290 = arith.constant 0 : i32
        %dma_wait3A_291 = arith.constant 0 : i32
        %dma_wait3A_292 = arith.constant 0 : i32
        %dma_wait3A_293 = tpu.memref_slice %arg6[%dma_wait3A_289, %dma_wait3A_290, %dma_wait3A_291, %dma_wait3A_292] : memref<4x2x2x1024xf32, #tpu.memory_space<vmem>> -> memref<1x2x2x1024xf32, #tpu.memory_space<vmem>>
        %dma_wait3A_294 = tpu.memref_squeeze %dma_wait3A_293 : memref<1x2x2x1024xf32, #tpu.memory_space<vmem>> -> memref<2x2x1024xf32, #tpu.memory_space<vmem>>
        %dma_wait3A_295 = arith.constant 0 : i32
        %dma_wait3A_296 = arith.constant 0 : i32
        %dma_wait3A_297 = arith.constant 0 : i32
        %dma_wait3A_298 = tpu.memref_slice %arg2[%dma_wait3A_295, %dma_wait3A_296, %dma_wait3A_297] : memref<1600x32x1024xf32, #tpu.memory_space<hbm>> -> memref<2x2x1024xf32, #tpu.memory_space<hbm>>
        %dma_wait3A_299 = arith.constant 0 : i32
        %dma_wait3A_300 = arith.constant 0 : i32
        %dma_wait3A_301 = arith.constant 0 : i32
        %dma_wait3A_302 = tpu.memref_slice %arg6[%dma_wait3A_289, %dma_wait3A_299, %dma_wait3A_300, %dma_wait3A_301] : memref<4x2x2x1024xf32, #tpu.memory_space<vmem>> -> memref<1x2x2x1024xf32, #tpu.memory_space<vmem>>
        %dma_wait3A_303 = tpu.memref_squeeze %dma_wait3A_302 : memref<1x2x2x1024xf32, #tpu.memory_space<vmem>> -> memref<2x2x1024xf32, #tpu.memory_space<vmem>>
        %dma_wait3A_304 = arith.constant 0 : i32
        %dma_wait3A_305 = arith.constant 0 : i32
        %dma_wait3A_306 = arith.constant 0 : i32
        %dma_wait3A_307 = tpu.memref_slice %arg2[%dma_wait3A_304, %dma_wait3A_305, %dma_wait3A_306] : memref<1600x32x1024xf32, #tpu.memory_space<hbm>> -> memref<2x2x1024xf32, #tpu.memory_space<hbm>>
        tpu.wait_dma2 semaphore(%arg8 : memref<!tpu.dma_semaphore, #tpu.memory_space<semaphore_mem>>) src(%dma_wait3A_307 : memref<2x2x1024xf32, #tpu.memory_space<hbm>>) dst(%dma_wait3A_303 : memref<2x2x1024xf32, #tpu.memory_space<vmem>>)
        %sub3A = arith.constant 2 : i32
        %sub3A_308 = arith.subi %add3A_260, %sub3A : i32
        %div3A_309 = arith.constant 16 : i32
        %div3A_310 = arith.divsi %sub3A_308, %div3A_309 : i32
        %rem3A_311 = arith.constant 16 : i32
        %rem3A_312 = arith.remsi %sub3A_308, %rem3A_311 : i32
        %mul3A_313 = arith.constant 2 : i32
        %mul3A_314 = arith.muli %mul3A_313, %div3A_310 : i32
        %add3A_315 = arith.addi %mul3A_4, %mul3A_314 : i32
        %mul3A_316 = arith.constant 2 : i32
        %mul3A_317 = arith.muli %rem3A_312, %mul3A_316 : i32
        %dma_start3A_318 = arith.constant 1 : i32
        %dma_start3A_319 = arith.constant 0 : i32
        %dma_start3A_320 = arith.constant 0 : i32
        %dma_start3A_321 = arith.constant 0 : i32
        %dma_start3A_322 = tpu.memref_slice %arg6[%dma_start3A_318, %dma_start3A_319, %dma_start3A_320, %dma_start3A_321] : memref<4x2x2x1024xf32, #tpu.memory_space<vmem>> -> memref<1x2x2x1024xf32, #tpu.memory_space<vmem>>
        %dma_start3A_323 = tpu.memref_squeeze %dma_start3A_322 : memref<1x2x2x1024xf32, #tpu.memory_space<vmem>> -> memref<2x2x1024xf32, #tpu.memory_space<vmem>>
        %dma_start3A_324 = arith.constant 0 : i32
        %dma_start3A_325 = tpu.memref_slice %arg4[%add3A_315, %mul3A_317, %dma_start3A_324] : memref<1600x32x1024xf32, #tpu.memory_space<hbm>> -> memref<2x2x1024xf32, #tpu.memory_space<hbm>>
        %dma_start3A_326 = arith.constant 0 : i32
        %dma_start3A_327 = tpu.memref_slice %arg4[%add3A_315, %mul3A_317, %dma_start3A_326] : memref<1600x32x1024xf32, #tpu.memory_space<hbm>> -> memref<2x2x1024xf32, #tpu.memory_space<hbm>>
        %dma_start3A_328 = arith.constant 0 : i32
        %dma_start3A_329 = arith.constant 0 : i32
        %dma_start3A_330 = arith.constant 0 : i32
        %dma_start3A_331 = tpu.memref_slice %arg6[%dma_start3A_318, %dma_start3A_328, %dma_start3A_329, %dma_start3A_330] : memref<4x2x2x1024xf32, #tpu.memory_space<vmem>> -> memref<1x2x2x1024xf32, #tpu.memory_space<vmem>>
        %dma_start3A_332 = tpu.memref_squeeze %dma_start3A_331 : memref<1x2x2x1024xf32, #tpu.memory_space<vmem>> -> memref<2x2x1024xf32, #tpu.memory_space<vmem>>
        tpu.enqueue_dma source(%dma_start3A_332 : memref<2x2x1024xf32, #tpu.memory_space<vmem>>) target(%dma_start3A_327 : memref<2x2x1024xf32, #tpu.memory_space<hbm>>) target_semaphore(%arg12 : memref<!tpu.dma_semaphore, #tpu.memory_space<semaphore_mem>>)
      } else {
      }
    }
    %scan3A_9 = arith.constant 100 : i32
    %dma_wait3A = arith.constant 2 : i32
    %dma_wait3A_10 = arith.constant 0 : i32
    %dma_wait3A_11 = arith.constant 0 : i32
    %dma_wait3A_12 = arith.constant 0 : i32
    %dma_wait3A_13 = tpu.memref_slice %arg6[%dma_wait3A, %dma_wait3A_10, %dma_wait3A_11, %dma_wait3A_12] : memref<4x2x2x1024xf32, #tpu.memory_space<vmem>> -> memref<1x2x2x1024xf32, #tpu.memory_space<vmem>>
    %dma_wait3A_14 = tpu.memref_squeeze %dma_wait3A_13 : memref<1x2x2x1024xf32, #tpu.memory_space<vmem>> -> memref<2x2x1024xf32, #tpu.memory_space<vmem>>
    %dma_wait3A_15 = arith.constant 0 : i32
    %dma_wait3A_16 = arith.constant 0 : i32
    %dma_wait3A_17 = arith.constant 0 : i32
    %dma_wait3A_18 = tpu.memref_slice %arg2[%dma_wait3A_15, %dma_wait3A_16, %dma_wait3A_17] : memref<1600x32x1024xf32, #tpu.memory_space<hbm>> -> memref<2x2x1024xf32, #tpu.memory_space<hbm>>
    %dma_wait3A_19 = arith.constant 0 : i32
    %dma_wait3A_20 = arith.constant 0 : i32
    %dma_wait3A_21 = arith.constant 0 : i32
    %dma_wait3A_22 = tpu.memref_slice %arg6[%dma_wait3A, %dma_wait3A_19, %dma_wait3A_20, %dma_wait3A_21] : memref<4x2x2x1024xf32, #tpu.memory_space<vmem>> -> memref<1x2x2x1024xf32, #tpu.memory_space<vmem>>
    %dma_wait3A_23 = tpu.memref_squeeze %dma_wait3A_22 : memref<1x2x2x1024xf32, #tpu.memory_space<vmem>> -> memref<2x2x1024xf32, #tpu.memory_space<vmem>>
    %dma_wait3A_24 = arith.constant 0 : i32
    %dma_wait3A_25 = arith.constant 0 : i32
    %dma_wait3A_26 = arith.constant 0 : i32
    %dma_wait3A_27 = tpu.memref_slice %arg2[%dma_wait3A_24, %dma_wait3A_25, %dma_wait3A_26] : memref<1600x32x1024xf32, #tpu.memory_space<hbm>> -> memref<2x2x1024xf32, #tpu.memory_space<hbm>>
    tpu.wait_dma2 semaphore(%arg9 : memref<!tpu.dma_semaphore, #tpu.memory_space<semaphore_mem>>) src(%dma_wait3A_27 : memref<2x2x1024xf32, #tpu.memory_space<hbm>>) dst(%dma_wait3A_23 : memref<2x2x1024xf32, #tpu.memory_space<vmem>>)
    %div3A = arith.constant 398 : i32
    %div3A_28 = arith.constant 16 : i32
    %div3A_29 = arith.divsi %div3A, %div3A_28 : i32
    %rem3A = arith.constant 398 : i32
    %rem3A_30 = arith.constant 16 : i32
    %rem3A_31 = arith.remsi %rem3A, %rem3A_30 : i32
    %mul3A_32 = arith.constant 2 : i32
    %mul3A_33 = arith.muli %mul3A_32, %div3A_29 : i32
    %add3A_34 = arith.addi %mul3A_4, %mul3A_33 : i32
    %mul3A_35 = arith.constant 2 : i32
    %mul3A_36 = arith.muli %rem3A_31, %mul3A_35 : i32
    %dma_start3A = arith.constant 2 : i32
    %dma_start3A_37 = arith.constant 0 : i32
    %dma_start3A_38 = arith.constant 0 : i32
    %dma_start3A_39 = arith.constant 0 : i32
    %dma_start3A_40 = tpu.memref_slice %arg6[%dma_start3A, %dma_start3A_37, %dma_start3A_38, %dma_start3A_39] : memref<4x2x2x1024xf32, #tpu.memory_space<vmem>> -> memref<1x2x2x1024xf32, #tpu.memory_space<vmem>>
    %dma_start3A_41 = tpu.memref_squeeze %dma_start3A_40 : memref<1x2x2x1024xf32, #tpu.memory_space<vmem>> -> memref<2x2x1024xf32, #tpu.memory_space<vmem>>
    %dma_start3A_42 = arith.constant 0 : i32
    %dma_start3A_43 = tpu.memref_slice %arg4[%add3A_34, %mul3A_36, %dma_start3A_42] : memref<1600x32x1024xf32, #tpu.memory_space<hbm>> -> memref<2x2x1024xf32, #tpu.memory_space<hbm>>
    %dma_start3A_44 = arith.constant 0 : i32
    %dma_start3A_45 = tpu.memref_slice %arg4[%add3A_34, %mul3A_36, %dma_start3A_44] : memref<1600x32x1024xf32, #tpu.memory_space<hbm>> -> memref<2x2x1024xf32, #tpu.memory_space<hbm>>
    %dma_start3A_46 = arith.constant 0 : i32
    %dma_start3A_47 = arith.constant 0 : i32
    %dma_start3A_48 = arith.constant 0 : i32
    %dma_start3A_49 = tpu.memref_slice %arg6[%dma_start3A, %dma_start3A_46, %dma_start3A_47, %dma_start3A_48] : memref<4x2x2x1024xf32, #tpu.memory_space<vmem>> -> memref<1x2x2x1024xf32, #tpu.memory_space<vmem>>
    %dma_start3A_50 = tpu.memref_squeeze %dma_start3A_49 : memref<1x2x2x1024xf32, #tpu.memory_space<vmem>> -> memref<2x2x1024xf32, #tpu.memory_space<vmem>>
    tpu.enqueue_dma source(%dma_start3A_50 : memref<2x2x1024xf32, #tpu.memory_space<vmem>>) target(%dma_start3A_45 : memref<2x2x1024xf32, #tpu.memory_space<hbm>>) target_semaphore(%arg13 : memref<!tpu.dma_semaphore, #tpu.memory_space<semaphore_mem>>)
    %dma_wait3A_51 = arith.constant 3 : i32
    %dma_wait3A_52 = arith.constant 0 : i32
    %dma_wait3A_53 = arith.constant 0 : i32
    %dma_wait3A_54 = arith.constant 0 : i32
    %dma_wait3A_55 = tpu.memref_slice %arg6[%dma_wait3A_51, %dma_wait3A_52, %dma_wait3A_53, %dma_wait3A_54] : memref<4x2x2x1024xf32, #tpu.memory_space<vmem>> -> memref<1x2x2x1024xf32, #tpu.memory_space<vmem>>
    %dma_wait3A_56 = tpu.memref_squeeze %dma_wait3A_55 : memref<1x2x2x1024xf32, #tpu.memory_space<vmem>> -> memref<2x2x1024xf32, #tpu.memory_space<vmem>>
    %dma_wait3A_57 = arith.constant 0 : i32
    %dma_wait3A_58 = arith.constant 0 : i32
    %dma_wait3A_59 = arith.constant 0 : i32
    %dma_wait3A_60 = tpu.memref_slice %arg2[%dma_wait3A_57, %dma_wait3A_58, %dma_wait3A_59] : memref<1600x32x1024xf32, #tpu.memory_space<hbm>> -> memref<2x2x1024xf32, #tpu.memory_space<hbm>>
    %dma_wait3A_61 = arith.constant 0 : i32
    %dma_wait3A_62 = arith.constant 0 : i32
    %dma_wait3A_63 = arith.constant 0 : i32
    %dma_wait3A_64 = tpu.memref_slice %arg6[%dma_wait3A_51, %dma_wait3A_61, %dma_wait3A_62, %dma_wait3A_63] : memref<4x2x2x1024xf32, #tpu.memory_space<vmem>> -> memref<1x2x2x1024xf32, #tpu.memory_space<vmem>>
    %dma_wait3A_65 = tpu.memref_squeeze %dma_wait3A_64 : memref<1x2x2x1024xf32, #tpu.memory_space<vmem>> -> memref<2x2x1024xf32, #tpu.memory_space<vmem>>
    %dma_wait3A_66 = arith.constant 0 : i32
    %dma_wait3A_67 = arith.constant 0 : i32
    %dma_wait3A_68 = arith.constant 0 : i32
    %dma_wait3A_69 = tpu.memref_slice %arg2[%dma_wait3A_66, %dma_wait3A_67, %dma_wait3A_68] : memref<1600x32x1024xf32, #tpu.memory_space<hbm>> -> memref<2x2x1024xf32, #tpu.memory_space<hbm>>
    tpu.wait_dma2 semaphore(%arg10 : memref<!tpu.dma_semaphore, #tpu.memory_space<semaphore_mem>>) src(%dma_wait3A_69 : memref<2x2x1024xf32, #tpu.memory_space<hbm>>) dst(%dma_wait3A_65 : memref<2x2x1024xf32, #tpu.memory_space<vmem>>)
    %div3A_70 = arith.constant 399 : i32
    %div3A_71 = arith.constant 16 : i32
    %div3A_72 = arith.divsi %div3A_70, %div3A_71 : i32
    %rem3A_73 = arith.constant 399 : i32
    %rem3A_74 = arith.constant 16 : i32
    %rem3A_75 = arith.remsi %rem3A_73, %rem3A_74 : i32
    %mul3A_76 = arith.constant 2 : i32
    %mul3A_77 = arith.muli %mul3A_76, %div3A_72 : i32
    %add3A_78 = arith.addi %mul3A_4, %mul3A_77 : i32
    %mul3A_79 = arith.constant 2 : i32
    %mul3A_80 = arith.muli %rem3A_75, %mul3A_79 : i32
    %dma_start3A_81 = arith.constant 3 : i32
    %dma_start3A_82 = arith.constant 0 : i32
    %dma_start3A_83 = arith.constant 0 : i32
    %dma_start3A_84 = arith.constant 0 : i32
    %dma_start3A_85 = tpu.memref_slice %arg6[%dma_start3A_81, %dma_start3A_82, %dma_start3A_83, %dma_start3A_84] : memref<4x2x2x1024xf32, #tpu.memory_space<vmem>> -> memref<1x2x2x1024xf32, #tpu.memory_space<vmem>>
    %dma_start3A_86 = tpu.memref_squeeze %dma_start3A_85 : memref<1x2x2x1024xf32, #tpu.memory_space<vmem>> -> memref<2x2x1024xf32, #tpu.memory_space<vmem>>
    %dma_start3A_87 = arith.constant 0 : i32
    %dma_start3A_88 = tpu.memref_slice %arg4[%add3A_78, %mul3A_80, %dma_start3A_87] : memref<1600x32x1024xf32, #tpu.memory_space<hbm>> -> memref<2x2x1024xf32, #tpu.memory_space<hbm>>
    %dma_start3A_89 = arith.constant 0 : i32
    %dma_start3A_90 = tpu.memref_slice %arg4[%add3A_78, %mul3A_80, %dma_start3A_89] : memref<1600x32x1024xf32, #tpu.memory_space<hbm>> -> memref<2x2x1024xf32, #tpu.memory_space<hbm>>
    %dma_start3A_91 = arith.constant 0 : i32
    %dma_start3A_92 = arith.constant 0 : i32
    %dma_start3A_93 = arith.constant 0 : i32
    %dma_start3A_94 = tpu.memref_slice %arg6[%dma_start3A_81, %dma_start3A_91, %dma_start3A_92, %dma_start3A_93] : memref<4x2x2x1024xf32, #tpu.memory_space<vmem>> -> memref<1x2x2x1024xf32, #tpu.memory_space<vmem>>
    %dma_start3A_95 = tpu.memref_squeeze %dma_start3A_94 : memref<1x2x2x1024xf32, #tpu.memory_space<vmem>> -> memref<2x2x1024xf32, #tpu.memory_space<vmem>>
    tpu.enqueue_dma source(%dma_start3A_95 : memref<2x2x1024xf32, #tpu.memory_space<vmem>>) target(%dma_start3A_90 : memref<2x2x1024xf32, #tpu.memory_space<hbm>>) target_semaphore(%arg14 : memref<!tpu.dma_semaphore, #tpu.memory_space<semaphore_mem>>)
    %dma_wait3A_96 = arith.constant 0 : i32
    %dma_wait3A_97 = arith.constant 0 : i32
    %dma_wait3A_98 = arith.constant 0 : i32
    %dma_wait3A_99 = arith.constant 0 : i32
    %dma_wait3A_100 = tpu.memref_slice %arg6[%dma_wait3A_96, %dma_wait3A_97, %dma_wait3A_98, %dma_wait3A_99] : memref<4x2x2x1024xf32, #tpu.memory_space<vmem>> -> memref<1x2x2x1024xf32, #tpu.memory_space<vmem>>
    %dma_wait3A_101 = tpu.memref_squeeze %dma_wait3A_100 : memref<1x2x2x1024xf32, #tpu.memory_space<vmem>> -> memref<2x2x1024xf32, #tpu.memory_space<vmem>>
    %dma_wait3A_102 = arith.constant 0 : i32
    %dma_wait3A_103 = arith.constant 0 : i32
    %dma_wait3A_104 = tpu.memref_slice %arg4[%mul3A_4, %dma_wait3A_102, %dma_wait3A_103] : memref<1600x32x1024xf32, #tpu.memory_space<hbm>> -> memref<2x2x1024xf32, #tpu.memory_space<hbm>>
    %dma_wait3A_105 = arith.constant 0 : i32
    %dma_wait3A_106 = arith.constant 0 : i32
    %dma_wait3A_107 = tpu.memref_slice %arg4[%mul3A_4, %dma_wait3A_105, %dma_wait3A_106] : memref<1600x32x1024xf32, #tpu.memory_space<hbm>> -> memref<2x2x1024xf32, #tpu.memory_space<hbm>>
    %dma_wait3A_108 = arith.constant 0 : i32
    %dma_wait3A_109 = arith.constant 0 : i32
    %dma_wait3A_110 = arith.constant 0 : i32
    %dma_wait3A_111 = tpu.memref_slice %arg6[%dma_wait3A_96, %dma_wait3A_108, %dma_wait3A_109, %dma_wait3A_110] : memref<4x2x2x1024xf32, #tpu.memory_space<vmem>> -> memref<1x2x2x1024xf32, #tpu.memory_space<vmem>>
    %dma_wait3A_112 = tpu.memref_squeeze %dma_wait3A_111 : memref<1x2x2x1024xf32, #tpu.memory_space<vmem>> -> memref<2x2x1024xf32, #tpu.memory_space<vmem>>
    tpu.wait_dma2 semaphore(%arg11 : memref<!tpu.dma_semaphore, #tpu.memory_space<semaphore_mem>>) src(%dma_wait3A_112 : memref<2x2x1024xf32, #tpu.memory_space<vmem>>) dst(%dma_wait3A_107 : memref<2x2x1024xf32, #tpu.memory_space<hbm>>)
    %dma_wait3A_113 = arith.constant 1 : i32
    %dma_wait3A_114 = arith.constant 0 : i32
    %dma_wait3A_115 = arith.constant 0 : i32
    %dma_wait3A_116 = arith.constant 0 : i32
    %dma_wait3A_117 = tpu.memref_slice %arg6[%dma_wait3A_113, %dma_wait3A_114, %dma_wait3A_115, %dma_wait3A_116] : memref<4x2x2x1024xf32, #tpu.memory_space<vmem>> -> memref<1x2x2x1024xf32, #tpu.memory_space<vmem>>
    %dma_wait3A_118 = tpu.memref_squeeze %dma_wait3A_117 : memref<1x2x2x1024xf32, #tpu.memory_space<vmem>> -> memref<2x2x1024xf32, #tpu.memory_space<vmem>>
    %dma_wait3A_119 = arith.constant 0 : i32
    %dma_wait3A_120 = arith.constant 0 : i32
    %dma_wait3A_121 = tpu.memref_slice %arg4[%mul3A_4, %dma_wait3A_119, %dma_wait3A_120] : memref<1600x32x1024xf32, #tpu.memory_space<hbm>> -> memref<2x2x1024xf32, #tpu.memory_space<hbm>>
    %dma_wait3A_122 = arith.constant 0 : i32
    %dma_wait3A_123 = arith.constant 0 : i32
    %dma_wait3A_124 = tpu.memref_slice %arg4[%mul3A_4, %dma_wait3A_122, %dma_wait3A_123] : memref<1600x32x1024xf32, #tpu.memory_space<hbm>> -> memref<2x2x1024xf32, #tpu.memory_space<hbm>>
    %dma_wait3A_125 = arith.constant 0 : i32
    %dma_wait3A_126 = arith.constant 0 : i32
    %dma_wait3A_127 = arith.constant 0 : i32
    %dma_wait3A_128 = tpu.memref_slice %arg6[%dma_wait3A_113, %dma_wait3A_125, %dma_wait3A_126, %dma_wait3A_127] : memref<4x2x2x1024xf32, #tpu.memory_space<vmem>> -> memref<1x2x2x1024xf32, #tpu.memory_space<vmem>>
    %dma_wait3A_129 = tpu.memref_squeeze %dma_wait3A_128 : memref<1x2x2x1024xf32, #tpu.memory_space<vmem>> -> memref<2x2x1024xf32, #tpu.memory_space<vmem>>
    tpu.wait_dma2 semaphore(%arg12 : memref<!tpu.dma_semaphore, #tpu.memory_space<semaphore_mem>>) src(%dma_wait3A_129 : memref<2x2x1024xf32, #tpu.memory_space<vmem>>) dst(%dma_wait3A_124 : memref<2x2x1024xf32, #tpu.memory_space<hbm>>)
    %dma_wait3A_130 = arith.constant 2 : i32
    %dma_wait3A_131 = arith.constant 0 : i32
    %dma_wait3A_132 = arith.constant 0 : i32
    %dma_wait3A_133 = arith.constant 0 : i32
    %dma_wait3A_134 = tpu.memref_slice %arg6[%dma_wait3A_130, %dma_wait3A_131, %dma_wait3A_132, %dma_wait3A_133] : memref<4x2x2x1024xf32, #tpu.memory_space<vmem>> -> memref<1x2x2x1024xf32, #tpu.memory_space<vmem>>
    %dma_wait3A_135 = tpu.memref_squeeze %dma_wait3A_134 : memref<1x2x2x1024xf32, #tpu.memory_space<vmem>> -> memref<2x2x1024xf32, #tpu.memory_space<vmem>>
    %dma_wait3A_136 = arith.constant 0 : i32
    %dma_wait3A_137 = arith.constant 0 : i32
    %dma_wait3A_138 = tpu.memref_slice %arg4[%mul3A_4, %dma_wait3A_136, %dma_wait3A_137] : memref<1600x32x1024xf32, #tpu.memory_space<hbm>> -> memref<2x2x1024xf32, #tpu.memory_space<hbm>>
    %dma_wait3A_139 = arith.constant 0 : i32
    %dma_wait3A_140 = arith.constant 0 : i32
    %dma_wait3A_141 = tpu.memref_slice %arg4[%mul3A_4, %dma_wait3A_139, %dma_wait3A_140] : memref<1600x32x1024xf32, #tpu.memory_space<hbm>> -> memref<2x2x1024xf32, #tpu.memory_space<hbm>>
    %dma_wait3A_142 = arith.constant 0 : i32
    %dma_wait3A_143 = arith.constant 0 : i32
    %dma_wait3A_144 = arith.constant 0 : i32
    %dma_wait3A_145 = tpu.memref_slice %arg6[%dma_wait3A_130, %dma_wait3A_142, %dma_wait3A_143, %dma_wait3A_144] : memref<4x2x2x1024xf32, #tpu.memory_space<vmem>> -> memref<1x2x2x1024xf32, #tpu.memory_space<vmem>>
    %dma_wait3A_146 = tpu.memref_squeeze %dma_wait3A_145 : memref<1x2x2x1024xf32, #tpu.memory_space<vmem>> -> memref<2x2x1024xf32, #tpu.memory_space<vmem>>
    tpu.wait_dma2 semaphore(%arg13 : memref<!tpu.dma_semaphore, #tpu.memory_space<semaphore_mem>>) src(%dma_wait3A_146 : memref<2x2x1024xf32, #tpu.memory_space<vmem>>) dst(%dma_wait3A_141 : memref<2x2x1024xf32, #tpu.memory_space<hbm>>)
    %dma_wait3A_147 = arith.constant 3 : i32
    %dma_wait3A_148 = arith.constant 0 : i32
    %dma_wait3A_149 = arith.constant 0 : i32
    %dma_wait3A_150 = arith.constant 0 : i32
    %dma_wait3A_151 = tpu.memref_slice %arg6[%dma_wait3A_147, %dma_wait3A_148, %dma_wait3A_149, %dma_wait3A_150] : memref<4x2x2x1024xf32, #tpu.memory_space<vmem>> -> memref<1x2x2x1024xf32, #tpu.memory_space<vmem>>
    %dma_wait3A_152 = tpu.memref_squeeze %dma_wait3A_151 : memref<1x2x2x1024xf32, #tpu.memory_space<vmem>> -> memref<2x2x1024xf32, #tpu.memory_space<vmem>>
    %dma_wait3A_153 = arith.constant 0 : i32
    %dma_wait3A_154 = arith.constant 0 : i32
    %dma_wait3A_155 = tpu.memref_slice %arg4[%mul3A_4, %dma_wait3A_153, %dma_wait3A_154] : memref<1600x32x1024xf32, #tpu.memory_space<hbm>> -> memref<2x2x1024xf32, #tpu.memory_space<hbm>>
    %dma_wait3A_156 = arith.constant 0 : i32
    %dma_wait3A_157 = arith.constant 0 : i32
    %dma_wait3A_158 = tpu.memref_slice %arg4[%mul3A_4, %dma_wait3A_156, %dma_wait3A_157] : memref<1600x32x1024xf32, #tpu.memory_space<hbm>> -> memref<2x2x1024xf32, #tpu.memory_space<hbm>>
    %dma_wait3A_159 = arith.constant 0 : i32
    %dma_wait3A_160 = arith.constant 0 : i32
    %dma_wait3A_161 = arith.constant 0 : i32
    %dma_wait3A_162 = tpu.memref_slice %arg6[%dma_wait3A_147, %dma_wait3A_159, %dma_wait3A_160, %dma_wait3A_161] : memref<4x2x2x1024xf32, #tpu.memory_space<vmem>> -> memref<1x2x2x1024xf32, #tpu.memory_space<vmem>>
    %dma_wait3A_163 = tpu.memref_squeeze %dma_wait3A_162 : memref<1x2x2x1024xf32, #tpu.memory_space<vmem>> -> memref<2x2x1024xf32, #tpu.memory_space<vmem>>
    tpu.wait_dma2 semaphore(%arg14 : memref<!tpu.dma_semaphore, #tpu.memory_space<semaphore_mem>>) src(%dma_wait3A_163 : memref<2x2x1024xf32, #tpu.memory_space<vmem>>) dst(%dma_wait3A_158 : memref<2x2x1024xf32, #tpu.memory_space<hbm>>)
    return
  }
}

</mosaic_0001>

<sc_bundles>
// kernel: kernel.3.cloned.1.call-start
scs
__scs_entry_jumppad:
0x0: {  	(pc) =	sbr.rel $0x88, $3  }
0x1: {  	(tag) =	ssettag $0x0;
	lr =	simm.s32 $0x1  }
0x2: {  	[smem:$0x3F9F] =	sst lr;
	_ =	strace $0xD0000000  }
0x3: {  	_ = 	snop  }
0x4: {  	_ = 	snop  }
0x5: {  	_ = 	snop  }
0x6: {  	_ = 	snop  }
0x7: {  	_ = 	snop  }
__scs_overlays_trampoline_lowered:
0x8: {  	[smem:$0x3FAE] =	sst s0  }
0x9: {  	[smem:$0x3FAF] =	sst s1  }
0xa: {  	[smem:$0x3FB0] =	sst s2  }
0xb: {  	[smem:$0x3FB1] =	sst s3  }
0xc: {  	[smem:$0x3FB2] =	sst s4  }
0xd: {  	[smem:$0x3FB3] =	sst s5  }
0xe: {  	[smem:$0x3FB4] =	sst s6  }
0xf: {  	[smem:$0x3FB5] =	sst s7  }
0x10: {  	[smem:$0x3FB6] =	sst s8  }
0x11: {  	[smem:$0x3FB7] =	sst s9;
	s0 =	simm.s32 @!p0 $0x0  }
0x12: {  	s1 =	sld [smem:$0x3F9D];
	s0 =	simm.s32 @p0 $0x1  }
0x13: {  	[smem:$0x3FB8] =	sst s0;
	s0 =	simm.s32 @!p1 $0x0  }
0x14: {  	s2 =	sld [smem:$0x3F9C];
	s0 =	simm.s32 @p1 $0x1  }
0x15: {  	[smem:$0x3FB9] =	sst s0;
	s0 =	simm.s32 @!p2 $0x0  }
0x16: {  	s3 =	sld [smem:$0x3FDB];
	s0 =	simm.s32 @p2 $0x1  }
0x17: {  	s4 =	simm.s32 $0x1BF5;
	[smem:$0x3FBB] =	sst s0  }
0x18: {  	s0 =	sld [smem:$0x3F9E];
	_ =	swait.ge [sflag:s4], $0x0  }
0x19: {  	s7 =	sld [smem:$0x3F9F]  }
0x1a: {  	s8 =	sadd.s32 $0xFFFFE003, lr  }
0x1b: {  	s9 =	sadd.s32 $0xFFFFFEF7, lr;
	s5 =	simm.s32 $0xFFFFFFFF;
	p2 =	slt.u32 s8, $0xFFFFF086  }
0x1c: {  	p1 =	slt.u32 s9, $0xF7A;
	s5 =	simm.s32 @!p2 $0x0  }
0x1d: {  	s5 =	simm.s32 @p1 $0x1;
	p0 =	seq.s32 s7, s2  }
0x1e: {  	s7 =	smul.u32 @!p0 $0xF7A, s2;
	p2 =	seq.s32 @!p0 s5, $0x0  }
0x1f: {  	s9 =	smul.u32 $0xF7A, s1;
	s8 =	simm.s32 @!p0 $0x1BF5;
	p2 =	por !p2, p0  }
0x20: {  	[sflag:s8] =	ssyncset.s32 @!p0 $0xFFFFF086;
	s6 =	sadd.s32 @!p0 s3, s7;
	s7 =	simm.s32 @!p0 $0x108  }
0x21: {  	s3 =	sadd.s32 s3, s9;
	s6 =	sadd.s32 @!p0 $0x88, s6;
	s7 =	simm.s32 @p2 $0x1082  }
0x22: {  	[simem:s7], [sflag:s8] =	dma.local @!p0 [hbm:s6], $0xF7A  }
0x23: {  	s9 =	sor.u32 $0xD0000000, s2;
	s6 =	simm.s32 $0x108;
	_ =	swait.ge @!p0 [sflag:s8], $0x0  }
0x24: {  	s3 =	sadd.s32 $0x88, s3;
	s6 =	simm.s32 @!p1 $0x1082;
	[sflag:s4] =	ssyncset.s32 $0xFFFFF086  }
0x25: {  	[simem:s6], [sflag:s4] =	dma.local [hbm:s3], $0xF7A  }
0x26: {  	[smem:$0x3F9F] =	sst s1;
	(tag) =	ssettag s2;
	_ =	strace s9  }
0x27: {  	s1 =	sld [smem:$0x3FAF]  }
0x28: {  	s2 =	sld [smem:$0x3FB0]  }
0x29: {  	s4 =	sld [smem:$0x3FB2]  }
0x2a: {  	p0 =	seq.s32 s5, $0x0;
	s5 =	sld [smem:$0x3FB3]  }
0x2b: {  	s6 =	sld [smem:$0x3FB4]  }
0x2c: {  	s7 =	sld [smem:$0x3FB5]  }
0x2d: {  	s3 =	simm.s32 $0x108;
	s8 =	sld [smem:$0x3FB6]  }
0x2e: {  	s3 =	simm.s32 @!p0 $0x1082;
	s9 =	sld [smem:$0x3FB7]  }
0x2f: {  	lr =	sadd.s32 s0, s3;
	s0 =	sld [smem:$0x3FAE]  }
0x30: {  	s3 =	sld [smem:$0x3FB1]  }
0x31: {  	[smem:$0x3FBA] =	sst s10  }
0x32: {  	s10 =	sld [smem:$0x3FB8];
	_ =	sdelay $0x3  }
0x33: {  	p0 =	seq.s32 s10, $0x1;
	s10 =	sld [smem:$0x3FBA];
	_ =	sdelay $0x3  }
0x34: {  	[smem:$0x3FBA] =	sst s10  }
0x35: {  	s10 =	sld [smem:$0x3FB9];
	_ =	sdelay $0x3  }
0x36: {  	p1 =	seq.s32 s10, $0x1;
	s10 =	sld [smem:$0x3FBA];
	_ =	sdelay $0x3  }
0x37: {  	[smem:$0x3FBA] =	sst s10  }
0x38: {  	s10 =	sld [smem:$0x3FBB]  }
0x39: {  	_ = 	snop;
	(pc) =	sbr.ind lr, $3  }
0x3a: {  	_ = 	snop  }
0x3b: {  	_ = 	snop  }
0x3c: {  	p2 =	seq.s32 s10, $0x1;
	s10 =	sld [smem:$0x3FBA]  }
0x3d: {  	_ =	shalt  }
0x3e: {  	_ =	shalt  }
0x3f: {  	_ =	shalt  }
0x40: {  	_ =	shalt  }
0x41: {  	_ =	shalt  }
0x42: {  	_ =	shalt  }
0x43: {  	_ =	shalt  }
0x44: {  	_ =	shalt  }
0x45: {  	_ =	shalt  }
0x46: {  	_ =	shalt  }
0x47: {  	_ =	shalt  }
0x48: {  	_ =	shalt  }
0x49: {  	_ =	shalt  }
0x4a: {  	_ =	shalt  }
0x4b: {  	_ =	shalt  }
0x4c: {  	_ =	shalt  }
0x4d: {  	_ =	shalt  }
0x4e: {  	_ =	shalt  }
0x4f: {  	_ =	shalt  }
0x50: {  	_ =	shalt  }
0x51: {  	_ =	shalt  }
0x52: {  	_ =	shalt  }
0x53: {  	_ =	shalt  }
0x54: {  	_ =	shalt  }
0x55: {  	_ =	shalt  }
0x56: {  	_ =	shalt  }
0x57: {  	_ =	shalt  }
0x58: {  	_ =	shalt  }
0x59: {  	_ =	shalt  }
0x5a: {  	_ =	shalt  }
0x5b: {  	_ =	shalt  }
0x5c: {  	_ =	shalt  }
0x5d: {  	_ =	shalt  }
0x5e: {  	_ =	shalt  }
0x5f: {  	_ =	shalt  }
0x60: {  	_ =	shalt  }
0x61: {  	_ =	shalt  }
0x62: {  	_ =	shalt  }
0x63: {  	_ =	shalt  }
0x64: {  	_ =	shalt  }
0x65: {  	_ =	shalt  }
0x66: {  	_ =	shalt  }
0x67: {  	_ =	shalt  }
0x68: {  	_ =	shalt  }
0x69: {  	_ =	shalt  }
0x6a: {  	_ =	shalt  }
0x6b: {  	_ =	shalt  }
0x6c: {  	_ =	shalt  }
0x6d: {  	_ =	shalt  }
0x6e: {  	_ =	shalt  }
0x6f: {  	_ =	shalt  }
0x70: {  	_ =	shalt  }
0x71: {  	_ =	shalt  }
0x72: {  	_ =	shalt  }
0x73: {  	_ =	shalt  }
0x74: {  	_ =	shalt  }
0x75: {  	_ =	shalt  }
0x76: {  	_ =	shalt  }
0x77: {  	_ =	shalt  }
0x78: {  	_ =	shalt  }
0x79: {  	_ =	shalt  }
0x7a: {  	_ =	shalt  }
0x7b: {  	_ =	shalt  }
0x7c: {  	_ =	shalt  }
0x7d: {  	_ =	shalt  }
0x7e: {  	_ =	shalt  }
0x7f: {  	_ =	shalt  }
0x80: {  	_ =	shalt  }
0x81: {  	_ =	shalt  }
0x82: {  	_ =	shalt  }
0x83: {  	_ =	shalt  }
0x84: {  	_ =	shalt  }
0x85: {  	_ =	shalt  }
0x86: {  	_ =	shalt  }
0x87: {  	_ =	shalt  }
.Lfunc_end0:
.L_simem_size_0:
called_computation_lowered:
.L_overlay_start_0:
0x88: {  	s2 =	sld [smem:$0x3FD9]  }
0x89: {  	s3 =	sld [smem:$0x3FFE];
	_ =	sdelay $0x1  }
0x8a: {  	s1 =	srdreg.scid  }
0x8b: {  	s0 =	sand.u32 $0x1, s1  }
0x8c: {  	s17 =	sshll.u32 s0, $0xA;
	s2 =	sadd.s32 s3, s2  }
0x8d: {  	s2 =	sadd.s32 s2, s17  }
0x8e: {  	[smem:$0x3FC6] =	sst s2  }
0x8f: {  	_ = 	snop  }
0x90: {  	s2 =	sld [smem:$0x3FC9]  }
0x91: {  	s18 =	sld [smem:$0x3FD0];
	(tm) =	ssettm $0x1  }
0x92: {  	s4 =	sld [smem:$0x3FFB];
	_ =	sdelay $0x3  }
0x93: {  	_ =	strace s4  }
0x94: {  	s4 =	sld [smem:$0x3FFC];
	_ =	sdelay $0x3  }
0x95: {  	_ =	strace s4  }
0x96: {  	s4 =	sld [smem:$0x3FFD];
	_ =	sdelay $0x3  }
0x97: {  	_ =	strace s4  }
0x98: {  	_ =	strace $0x8FFFFFFF  }
0x99: {  	s19 =	sld [smem:$0x3FDB];
	_ =	sdelay $0x1  }
0x9a: {  	s5 =	simm.s32 $_scs_section_size  }
0x9b: {  	s6 =	simm.s32 $_size__tile_overlayer_lowered;
	s7 =	simm.s32 $_tile_overlayer_lowered  }
0x9c: {  	s22 =	simm.s32 $0x1BFF;
	s21 =	sshll.u32 s7, $0x1;
	s4 =	sadd.s32 s5, s19  }
0x9d: {  	s8 =	simm.s32 $0x0;
	s20 =	sshll.u32 s6, $0x1;
	s6 =	sadd.s32 s21, s4  }
0x9e: {  	[timem:s8], [sflag:s22] =	dma.local [hbm:s6], s20  }
0x9f: {  	_ =	swait.ge [sflag:s22], s20  }
0xa0: {  	s5 =	ssub.s32 $0x0, s20;
	[sflag:s22] =	ssyncset.done $0x0  }
0xa1: {  	[sflag:s22] =	ssyncadd.s32 s5;
	_ =	sdelay $0x1  }
0xa2: {  	s23 =	simm.s32 $0x1B8B  }
0xa3: {  	_ =	swait.ge [sflag:s23], $0x1  }
0xa4: {  	[sflag:s23] =	ssyncset.done $0x0  }
0xa5: {  	s25 =	simm.s32 $0x1B8E;
	s24 =	sld [smem:$0x3FFE];
	[sflag:s23] =	ssyncadd.s32 $0xFFFFFFFF  }
0xa6: {  	s26 =	simm.s32 $execute0_lowered;
	[smem:$0x3FD2] =	sst s25  }
0xa7: {  	s6 =	sshll.u32 s26, $0x1;
	_ =	strace $0x80000046;
	[dreg:$0x1] =	wrdreg $0xFFFFFFFF  }
0xa8: {  	s28 =	simm.s32 $_size_execute0_lowered;
	s4 =	sadd.s32 s4, s6;
	[dreg:$0x0] =	wrdreg $0x0  }
0xa9: {  	s6 =	sshll.u32 s28, $0x1;
	[dreg:$0x2] =	wrdreg s4  }
0xaa: {  	[dreg:$0x3] =	wrdreg s6  }
0xab: {  	[dreg:$0x4] =	wrdreg $0xC0  }
0xac: {  	_ =	task [dreg:s8], $0x5FFFF  }
0xad: {  	[dreg:$0x1] =	wrdreg $0xFFFFFFFF  }
0xae: {  	[dreg:$0x0] =	wrdreg $0x60  }
0xaf: {  	[dreg:$0x2] =	wrdreg s2  }
0xb0: {  	[dreg:$0x3] =	wrdreg s24  }
0xb1: {  	[dreg:$0x4] =	wrdreg s18  }
0xb2: {  	[dreg:$0x5] =	wrdreg $0x9  }
0xb3: {  	_ =	task.clear_ibuf [dreg:s8], $0x6FFFF;
	_ =	strace $0x90000046  }
0xb4: {  	s29 =	simm.s32 $0x9;
	_ =	strace $0x80000048  }
0xb5: {  	_ =	swait.ge [sflag:s29], $0x1  }
0xb6: {  	[sflag:s29] =	ssyncadd.s32 $0xFFFFFFFF  }
0xb7: {  	_ =	strace $0x90000048  }
0xb8: {  	_ =	sfence  }
0xb9: {  	s30 =	sld [smem:$0x0];
	_ =	sdelay $0x2  }
0xba: {  	s31 =	sshll.u32 s1, $0xD;
	s1 =	sshrl.u32 s1, $0x2  }
0xbb: {  	s3 =	sand.u32 $0x4000, s31;
	s1 =	sadd.s32 s1, s30  }
0xbc: {  	s0 =	sor.u32 s3, s0;
	s1 =	sshll.u32 s1, $0x11  }
0xbd: {  	s0 =	sor.u32 s1, s0  }
0xbe: {  	s0 =	sadd.s32 $0x8F2B, s0  }
0xbf: {  	[sflag:s0] =	ssyncadd.remote.s32 $0x1  }
0xc0: {  	_ =	sfence.sel $0xFFFF  }
0xc1: {  	[dreg:$0x0] =	wrdreg $0xFFFFFFFF;
	(pc) =	sbr.abs _section_cstart, $3  }
0xc2: {  	[dreg:$0x1] =	wrdreg $0xFFFFFFFF  }
0xc3: {  	_ =	task.clear_ibuf [dreg:s8], $0x2FFFF;
	_ =	strace $0x9FFFFFFF  }
0xc4: {  	(tm) =	ssettm $0x7FFFFFFF  }
0xc5: {  	_ =	shalt  }
tec
execute0_lowered:
.L_overlay_start_1:
0x0: {  	(tag) =	ssettag $0x1  }
0x1: {  	s1 =	rddreg [dreg:$0x0]  }
0x2: {  	s0 =	rddreg [dreg:$0x1];
	s2 =	srdreg.scid  }
0x3: {  	s4 =	stileid.u32;
	s3 =	rddreg [dreg:$0x2];
	s12 =	simm.s32 $0x1000  }
0x4: {  	s13 =	simm.s32 $0x3000;
	s14 =	simm.s32 $0x1;
	s29 =	simm.s32 $0x1800  }
0x5: {  	s15 =	simm.s32 $0x100;
	s30 =	simm.s32 $0x2000;
	s16 =	simm.s32 $0x400  }
0x6: {  	s31 =	simm.s32 $0x2800;
	s5 =	sshll.u32 s4, $0x1;
	s4 =	simm.s32 $0x0  }
0x7: {  	s17 =	simm.s32 $0x4000;
	s21 =	sadd.s32 $0x40, s3;
	[smem:$0x7FF] =	sst s4  }
0x8: {  	s22 =	sadd.s32 $0x60, s3;
	_ =	strace $0x80000047;
	[dreg:$0x4] =	wrdreg s21  }
0x9: {  	s18 =	simm.s32 $0x2;
	s23 =	sadd.s32 $0x40, s1;
	[dreg:$0x5] =	wrdreg s22  }
0xa: {  	s28 =	simm.s32 $0x0;
	s24 =	sadd.s32 $0x60, s1;
	[dreg:$0x6] =	wrdreg s23  }
0xb: {  	s2 =	sand.u32 $0x1, s2;
	s25 =	sadd.s32 $0x20, s3;
	[dreg:$0x7] =	wrdreg s24  }
0xc: {  	s7 =	sadd.s32 $0x20, s1;
	s6 =	sor.u32 s2, s5;
	[dreg:$0x8] =	wrdreg s25  }
0xd: {  	s2 =	ssub.s32 $0x2, s2;
	s5 =	sshll.u32 s6, $0x9;
	[dreg:$0x9] =	wrdreg s29  }
0xe: {  	s20 =	sshrl.u32 s2, $0x1;
	s6 =	smul.u32 $0x190000, s6;
	[dreg:$0xa] =	wrdreg s30  }
0xf: {  	[dreg:$0xb] =	wrdreg s31;
	s23 =	simm.s32 $0x5;
	s0 =	sadd.s32 s5, s0  }
0x10: {  	s24 =	simm.s32 $0x6;
	s2 =	ssub.s32 s2, s20;
	s0 =	sadd.s32 $0x400, s0  }
0x11: {  	v0 =	vlaneseq.u32;
	s8 =	sshrl.u32 s6, $0x3;
	s26 =	smax.u32 s2, $0x1;
	[dreg:$0xc] =	wrdreg s0  }
0x12: {  	v1 =	vand.u32 $0x7, v0;
	s25 =	simm.s32 $0x7;
	s9 =	sadd.s32 s3, s8;
	[dreg:$0xd] =	wrdreg s26  }
0x13: {  	vm0 =	vmmov $0xffff;
	v0 =	vshrl.u32 v0, $0x3;
	v1 =	vmul.u32 $0x400, v1;
	s26 =	simm.s32 $0x8;
	s8 =	sadd.s32 $0x30C40, s9;
	s9 =	sadd.s32 $0x30C60, s9  }
.LBB2_1:
0x14: {  	s0 =	rddreg [dreg:$0xc];
	s22 =	simm.s32 $0x9  }
0x15: {  	[tilespmem:s4], [sflag:$0x9] =	stream.linear.gather [hbm4b:s0+s4], $0xC80, $0x38;
	[tilespmem:$0x5000] =	vst v63  }
0x16: {  	s29 =	simm.s32 $0xFFFFF000;
	_ =	swait.ge [sflag:s22], $0xC80  }
0x17: {  	s30 =	simm.s32 $0xFFFFE000;
	s31 =	simm.s32 $0x0;
	[sflag:s22] =	ssyncset.done $0x0  }
0x18: {  	s2 =	simm.s32 $0x0;
	s0 =	simm.s32 $0x0;
	[sflag:s22] =	ssyncadd.s32 $0xFFFFF380  }
.LBB2_2:
0x19: {  	p0 =	seq.s32 s29, $0xFFFFF000  }
0x1a: {  	s20 =	simm.s32 @!p0 $0x5  }
0x1b: {  	_ =	swait.ge @!p0 [sflag:s20], $0x1000  }
0x1c: {  	s22 =	sshll.u32 s0, $0x5;
	[sflag:s20] =	ssyncset.done @!p0 $0x0  }
0x1d: {  	s22 =	sand.u32 $0x3FFFFF80, s22;
	[sflag:s20] =	ssyncadd.s32 @!p0 $0xFFFFF000  }
0x1e: {  	v2 =	vld.msk [tilespmem:s22+$0x0], $0x3;
	_ =	sdelay $0x4  }
0x1f: {  	v2 =	vshll.u32 v2, $0xF  }
0x20: {  	v2 =	vperm.xlane v2, v0;
	_ =	sdelay $0x1  }
0x21: {  	v2 =	vadd.s32 v1, v2  }
0x22: {  	s11 =	sadd.s32 $0x1000, s29  }
0x23: {  	s20 =	sand.u32 $0x6000, s11  }
0x24: {  	s5 =	sshrl.u32 s20, $0x3  }
0x25: {  	s10 =	sadd.s32 s1, s5  }
0x26: {  	[tilespmem:s12], [sflag:$0x1] =	stream.indirect_vreg.gather [hbm4b:s10+s4], $0x100, v2, vm0, $0x38;
	[tilespmem:$0x5000] =	vst v63  }
0x27: {  	v2 =	vld.msk @p0 [tilespmem:s22+$0x0], $0x3;
	_ =	sdelay $0x3  }
0x28: {  	v3 =	vlaneseq.u32 @p0  }
0x29: {  	v4 =	vshrl.u32 @p0 v3, $0x3;
	v3 =	vand.u32 @p0 $0x7, v3;
	v2 =	vshll.u32 @p0 v2, $0xF  }
0x2a: {  	v3 =	vmul.u32 @p0 $0x400, v3;
	v2 =	vperm.xlane @p0 v2, v4;
	_ =	sdelay $0x1  }
0x2b: {  	v2 =	vadd.s32 @p0 v3, v2;
	_ =	sdelay $0x3  }
0x2c: {  	vm1 =	vmmov @p0 $0xffff;
	s11 =	simm.s32 @p0 $0x2000;
	s10 =	simm.s32 @p0 $0x0  }
0x2d: {  	[tilespmem:s11], [sflag:$0x2] =	stream.indirect_vreg.gather @p0 [hbm4b:s7+s10], $0x100, v2, vm1, $0x38;
	[tilespmem:$0x5000] =	vst v63  }
0x2e: {  	s10 =	simm.s32 @!p0 $0x3;
	s11 =	sand.u32 @!p0 $0xFFFF0000, s30  }
0x2f: {  	s19 =	sand.u32 @!p0 $0x6000, s29;
	_ =	swait.ge @!p0 [sflag:s10], $0x1000;
	s11 =	sadd.s32 @!p0 s6, s11  }
0x30: {  	s21 =	rddreg [dreg:$0x4];
	s11 =	sor.u32 @!p0 s19, s11;
	[sflag:s10] =	ssyncset.done @!p0 $0x0  }
0x31: {  	s19 =	simm.s32 @!p0 $0x400;
	s11 =	sshrl.u32 @!p0 s11, $0x3;
	[sflag:s10] =	ssyncadd.s32 @!p0 $0xFFFFF000  }
0x32: {  	s10 =	sadd.s32 @!p0 s11, s21;
	s11 =	simm.s32 @!p0 $0x100;
	s21 =	simm.s32 @!p0 $0x3000  }
0x33: {  	[hbm4b:s10+s11] =	stream.strided.scatter @!p0 [tilespmem:s21], [sflag:$0x7], $0x800, s19, s11, $0x38;
	[tilespmem:$0x5000] =	vst v63  }
0x34: {  	s10 =	sadd.s32 @!p0 $0x1000, s10;
	s21 =	simm.s32 @!p0 $0x3800  }
0x35: {  	[hbm4b:s10+s11] =	stream.strided.scatter @!p0 [tilespmem:s21], [sflag:$0x7], $0x800, s19, s11, $0x38;
	[tilespmem:$0x5000] =	vst v63  }
0x36: {  	s10 =	simm.s32 @!p0 $0x6  }
0x37: {  	_ =	swait.ge @!p0 [sflag:s10], $0x1000  }
0x38: {  	[sflag:s10] =	ssyncset.done @!p0 $0x0  }
0x39: {  	[sflag:s10] =	ssyncadd.s32 @!p0 $0xFFFFF000  }
0x3a: {  	v2 =	vld.msk @!p0 [tilespmem:s22+$0x0], $0x3;
	_ =	sdelay $0x3  }
0x3b: {  	v3 =	vlaneseq.u32 @!p0  }
0x3c: {  	v4 =	vshrl.u32 @!p0 v3, $0x3;
	v3 =	vand.u32 @!p0 $0x7, v3;
	v2 =	vshll.u32 @!p0 v2, $0xF  }
0x3d: {  	v3 =	vmul.u32 @!p0 $0x400, v3;
	v2 =	vperm.xlane @!p0 v2, v4;
	_ =	sdelay $0x1  }
0x3e: {  	v2 =	vadd.s32 @!p0 v3, v2;
	_ =	sdelay $0x3  }
0x3f: {  	s5 =	sadd.s32 @!p0 s5, s7;
	vm1 =	vmmov @!p0 $0xffff;
	s21 =	simm.s32 @!p0 $0x2000;
	s10 =	simm.s32 @!p0 $0x0  }
0x40: {  	[tilespmem:s21], [sflag:$0x2] =	stream.indirect_vreg.gather @!p0 [hbm4b:s5+s10], $0x100, v2, vm1, $0x38;
	[tilespmem:$0x5000] =	vst v63  }
0x41: {  	s10 =	sadd.s32 @!p0 $0x1000, s30  }
0x42: {  	s21 =	sadd.s32 @!p0 $0x800, s29;
	s10 =	sand.u32 @!p0 $0xFFFF0000, s10  }
0x43: {  	s5 =	simm.s32 @!p0 $0x4;
	s21 =	sand.u32 @!p0 $0x6000, s21;
	s10 =	sadd.s32 @!p0 s6, s10  }
0x44: {  	_ =	swait.ge @!p0 [sflag:s5], $0x1000;
	s10 =	sor.u32 @!p0 s21, s10  }
0x45: {  	s22 =	rddreg [dreg:$0x5];
	[sflag:s5] =	ssyncset.done @!p0 $0x0;
	s10 =	sshrl.u32 @!p0 s10, $0x3  }
0x46: {  	[sflag:s5] =	ssyncadd.s32 @!p0 $0xFFFFF000;
	s5 =	sadd.s32 @!p0 s10, s22;
	s10 =	simm.s32 @!p0 $0x4000  }
0x47: {  	[hbm4b:s5+s11] =	stream.strided.scatter @!p0 [tilespmem:s10], [sflag:$0x8], $0x800, s19, s11, $0x38;
	[tilespmem:$0x5000] =	vst v63  }
0x48: {  	s5 =	sadd.s32 @!p0 $0x1000, s5;
	s10 =	simm.s32 @!p0 $0x4800  }
0x49: {  	[hbm4b:s5+s11] =	stream.strided.scatter @!p0 [tilespmem:s10], [sflag:$0x8], $0x800, s19, s11, $0x38;
	[tilespmem:$0x5000] =	vst v63  }
0x4a: {  	s5 =	simm.s32 @!p0 $0x7  }
0x4b: {  	_ =	swait.ge @!p0 [sflag:s5], $0x1000  }
0x4c: {  	s19 =	sshrl.u32 s2, $0x2;
	[sflag:s5] =	ssyncset.done @!p0 $0x0  }
0x4d: {  	[sflag:s5] =	ssyncadd.s32 @!p0 $0xFFFFF000;
	s5 =	sand.u32 $0xF80, s19  }
0x4e: {  	v2 =	vld.msk [tilespmem:s5+$0x0], $0x3;
	_ =	sdelay $0x4  }
0x4f: {  	v2 =	vshll.u32 v2, $0xF  }
0x50: {  	v2 =	vperm.xlane v2, v0;
	_ =	sdelay $0x1  }
0x51: {  	v2 =	vadd.s32 v1, v2;
	_ =	sdelay $0x2  }
0x52: {  	s22 =	sshrl.u32 s0, $0x2;
	s11 =	sand.u32 $0xC00, s31;
	s21 =	rddreg [dreg:$0x6]  }
0x53: {  	s10 =	sadd.s32 s11, s21;
	s19 =	sshll.u32 s22, $0x10  }
0x54: {  	[tilespmem:s13], [sflag:$0x3] =	stream.indirect_vreg.gather [hbm4b:s10+s4], $0x100, v2, vm0, $0x38;
	[tilespmem:$0x5000] =	vst v63  }
0x55: {  	s10 =	sadd.s32 s6, s19  }
0x56: {  	_ =	swait.ge [sflag:s14], $0x1000;
	s10 =	sor.u32 s20, s10  }
0x57: {  	[sflag:s14] =	ssyncset.done $0x0;
	s10 =	sshrl.u32 s10, $0x3  }
0x58: {  	[sflag:s14] =	ssyncadd.s32 $0xFFFFF000;
	s21 =	sadd.s32 s3, s10  }
0x59: {  	[hbm4b:s21+s15] =	stream.strided.scatter [tilespmem:s12], [sflag:$0x5], $0x800, s16, s15, $0x38;
	[tilespmem:$0x5000] =	vst v63  }
0x5a: {  	s22 =	rddreg [dreg:$0x9];
	s19 =	sadd.s32 $0x1000, s21  }
0x5b: {  	[hbm4b:s19+s15] =	stream.strided.scatter [tilespmem:s22], [sflag:$0x5], $0x800, s16, s15, $0x38;
	[tilespmem:$0x5000] =	vst v63  }
0x5c: {  	s19 =	simm.s32 @!p0 $0x8  }
0x5d: {  	_ =	swait.ge @!p0 [sflag:s19], $0x1000  }
0x5e: {  	[sflag:s19] =	ssyncset.done @!p0 $0x0  }
0x5f: {  	[sflag:s19] =	ssyncadd.s32 @!p0 $0xFFFFF000  }
0x60: {  	v2 =	vld.msk [tilespmem:s5+$0x0], $0x3;
	_ =	sdelay $0x4  }
0x61: {  	v2 =	vshll.u32 v2, $0xF  }
0x62: {  	v2 =	vperm.xlane v2, v0;
	_ =	sdelay $0x1  }
0x63: {  	v2 =	vadd.s32 v1, v2;
	_ =	sdelay $0x2  }
0x64: {  	s29 =	sadd.s32 $0x2000, s29;
	s19 =	rddreg [dreg:$0x7]  }
0x65: {  	s30 =	sadd.s32 $0x4000, s30;
	s0 =	sadd.s32 $0x1, s0;
	s5 =	sadd.s32 s11, s19  }
0x66: {  	[tilespmem:s17], [sflag:$0x4] =	stream.indirect_vreg.gather [hbm4b:s5+s4], $0x100, v2, vm0, $0x38;
	[tilespmem:$0x5000] =	vst v63  }
0x67: {  	s2 =	sadd.s32 $0x80, s2;
	p0 =	sne.s32 s29, $0xC7000;
	_ =	swait.ge [sflag:s18], $0x1000  }
.Ltmp0:
0x68: {  	s20 =	rddreg [dreg:$0x8];
	[sflag:s18] =	ssyncset.done $0x0;
	(pc) =	sbr.rel @p0 .LBB2_2-.Ltmp0, $4  }
0x69: {  	s21 =	rddreg [dreg:$0xa];
	[sflag:s18] =	ssyncadd.s32 $0xFFFFF000;
	s5 =	sadd.s32 s10, s20  }
0x6a: {  	[hbm4b:s5+s15] =	stream.strided.scatter [tilespmem:s21], [sflag:$0x6], $0x800, s16, s15, $0x38;
	[tilespmem:$0x5000] =	vst v63  }
0x6b: {  	s31 =	sadd.s32 $0x400, s31;
	s22 =	rddreg [dreg:$0xb];
	s5 =	sadd.s32 $0x1000, s5  }
0x6c: {  	[hbm4b:s5+s15] =	stream.strided.scatter [tilespmem:s22], [sflag:$0x6], $0x800, s16, s15, $0x38;
	[tilespmem:$0x5000] =	vst v63  }
0x6d: {  	s0 =	simm.s32 $0x3  }
0x6e: {  	_ =	swait.ge [sflag:s0], $0x1000  }
0x6f: {  	[sflag:s0] =	ssyncset.done $0x0  }
0x70: {  	[sflag:s0] =	ssyncadd.s32 $0xFFFFF000  }
0x71: {  	[hbm4b:s8+s15] =	stream.strided.scatter [tilespmem:s13], [sflag:$0x7], $0x800, s16, s15, $0x38;
	[tilespmem:$0x5000] =	vst v63  }
0x72: {  	s21 =	sadd.s32 $0x1000, s8;
	s2 =	simm.s32 $0x3800;
	s22 =	simm.s32 $0x4  }
0x73: {  	[hbm4b:s21+s15] =	stream.strided.scatter [tilespmem:s2], [sflag:$0x7], $0x800, s16, s15, $0x38;
	[tilespmem:$0x5000] =	vst v63  }
0x74: {  	_ =	swait.ge [sflag:s22], $0x1000  }
0x75: {  	[sflag:s22] =	ssyncset.done $0x0  }
0x76: {  	[sflag:s22] =	ssyncadd.s32 $0xFFFFF000  }
0x77: {  	[hbm4b:s9+s15] =	stream.strided.scatter [tilespmem:s17], [sflag:$0x8], $0x800, s16, s15, $0x38;
	[tilespmem:$0x5000] =	vst v63  }
0x78: {  	s29 =	sadd.s32 $0x1000, s9;
	s30 =	simm.s32 $0x4800  }
0x79: {  	[hbm4b:s29+s15] =	stream.strided.scatter [tilespmem:s30], [sflag:$0x8], $0x800, s16, s15, $0x38;
	[tilespmem:$0x5000] =	vst v63  }
0x7a: {  	_ =	swait.ge [sflag:s23], $0x1000  }
0x7b: {  	[sflag:s23] =	ssyncset.done $0x0  }
0x7c: {  	[sflag:s23] =	ssyncadd.s32 $0xFFFFF000  }
0x7d: {  	_ =	swait.ge [sflag:s24], $0x1000  }
0x7e: {  	[sflag:s24] =	ssyncset.done $0x0  }
0x7f: {  	[sflag:s24] =	ssyncadd.s32 $0xFFFFF000  }
0x80: {  	_ =	swait.ge [sflag:s25], $0x1000  }
0x81: {  	[sflag:s25] =	ssyncset.done $0x0  }
0x82: {  	[sflag:s25] =	ssyncadd.s32 $0xFFFFF000  }
0x83: {  	_ =	swait.ge [sflag:s26], $0x1000  }
0x84: {  	s28 =	sadd.s32 $0x1, s28;
	s31 =	rddreg [dreg:$0xd]  }
0x85: {  	p0 =	sne.s32 s28, s31  }
.Ltmp1:
0x86: {  	_ = 	snop;
	(pc) =	sbr.rel @p0 .LBB2_1-.Ltmp1, $3  }
0x87: {  	_ =	sdelay $0x1  }
0x88: {  	[sflag:s26] =	ssyncset.done $0x0  }
0x89: {  	[sflag:s26] =	ssyncadd.s32 $0xFFFFF000  }
0x8a: {  	_ =	sfence.sel $0x180000  }
0x8b: {  	[bflag:$0x0] =	sbarrier.arrive $0xFFFF  }
0x8c: {  	_ =	strace $0x90000047  }
0x8d: {  	s0 =	stileid.u32;
	[bflag:$0x2] =	sbarrier.arrive $0xFFFF  }
0x8e: {  	p0 =	sne.s32 s0, $0x0;
	s0 =	rddreg [dreg:$0x3]  }
0x8f: {  	s0 =	sadd.s32 @!p0 $0x100000, s0  }
0x90: {  	[sflag:s0] =	ssyncadd.tile.s32 @!p0 $0x1;
	_ =	shalt  }
.Lfunc_end2:
_tile_overlayer_lowered:
.L_overlay_start_2:
0x91: {  	(tag) =	ssettag $0x2  }
0x92: {  	s0 =	rddreg [dreg:$0x0];
	s2 =	stileid.u32  }
0x93: {  	s1 =	rddreg [dreg:$0x1];
	p0 =	sne.s32 s2, $0x0  }
0x94: {  	s3 =	rddreg [dreg:$0x2];
	[bflag:$0x3] =	sbarrier.arrive $0xFFFF;
	s2 =	simm.s32 @!p0 $0x1C09  }
0x95: {  	[timem:s3], [sflag:s2] =	dma.local @!p0 [hbm:s0], s1  }
0x96: {  	s0 =	simm.s32 @!p0 $0x9  }
0x97: {  	_ =	swait.ge @!p0 [sflag:s0], s1  }
0x98: {  	s1 =	ssub.s32 @!p0 $0x0, s1;
	[sflag:s0] =	ssyncset.done @!p0 $0x0  }
0x99: {  	[sflag:s0] =	ssyncadd.s32 @!p0 s1  }
0x9a: {  	[bflag:$0x3] =	sbarrier.arrive $0xFFFF  }
0x9b: {  	_ =	shalt  }

</sc_bundles>
